<compile_context>
chip_gen: v7x
topology: tpu7x:2x2x1
jax: 0.10.2.dev20260603
libtpu: 0.0.44.dev20260713+nightly
codegen_flags: <defaults>
</compile_context>

<pallas_src>
import functools

import jax
import jax.numpy as jnp
from jax import lax
from jax.experimental import pallas as pl
from jax.experimental.pallas import tpu as pltpu
from jax.experimental.pallas import tpu_sc as plsc

N = 100000
E = 3200000
NP = 100352
NC, NS = 2, 16
NW = NC * NS
EPT = E // NW
CHA = 25000
NCHA = EPT // CHA
CHB = 10000
NCHB = EPT // CHB
CH3 = 800
NCH3 = EPT // CH3
F1 = 16
F2 = 16
BR = 1792
GR = NP // BR

_MESH = dict(core_axis_name="c", subcore_axis_name="s", num_cores=NC,
             num_subcores=NS)
_SC_PARAMS = pltpu.CompilerParams(use_tc_tiling_on_sc=False)


def _wid():
    return lax.axis_index("c") * NS + lax.axis_index("s")


@functools.partial(
    pl.kernel,
    out_type=jax.ShapeDtypeStruct((NC, NP), jnp.float32),
    mesh=plsc.VectorSubcoreMesh(**_MESH),
    compiler_params=_SC_PARAMS,
    scratch_types=[
        pltpu.VMEM((CHA,), jnp.int32),
        pltpu.VMEM((CHA,), jnp.int32),
        pltpu.VMEM((CHA,), jnp.float32),
        pltpu.VMEM_SHARED((NP,), jnp.float32),
        pltpu.SemaphoreType.DMA,
        pltpu.SemaphoreType.DMA,
    ],
)
def _sc_count(col_hbm, ones_hbm, zeros_hbm, out_hbm,
              cidx0, cidx1, ones_v, acc_sh, sem0, sem1):
    cid = lax.axis_index("c")
    sid = lax.axis_index("s")

    @pl.when(sid == 0)
    def _():
        pltpu.sync_copy(zeros_hbm, acc_sh)

    pltpu.sync_copy(ones_hbm, ones_v)
    plsc.subcore_barrier()

    base = _wid() * EPT
    cidx = (cidx0, cidx1)
    sems = (sem0, sem1)

    def body(j, carry):
        for b in range(2):
            i = j * 2 + b

            @pl.when(j > 0)
            def _():
                pltpu.make_async_copy(ones_v, acc_sh.at[cidx[b]], sems[b]).wait()

            pltpu.sync_copy(col_hbm.at[pl.ds(base + i * CHA, CHA)], cidx[b])
            pltpu.async_copy(ones_v, acc_sh.at[cidx[b]], sems[b], add=True)
        return carry

    lax.fori_loop(0, NCHA // 2, body, 0)
    for b in range(2):
        pltpu.make_async_copy(ones_v, acc_sh.at[cidx[b]], sems[b]).wait()
    plsc.subcore_barrier()

    @pl.when(sid == 0)
    def _():
        pltpu.sync_copy(acc_sh, out_hbm.at[cid])


@functools.partial(
    pl.kernel,
    out_type=jax.ShapeDtypeStruct((NC, NP), jnp.float32),
    mesh=plsc.VectorSubcoreMesh(**_MESH),
    compiler_params=_SC_PARAMS,
    scratch_types=[
        pltpu.VMEM((CHB,), jnp.int32),
        pltpu.VMEM((CHB,), jnp.int32),
        pltpu.VMEM((CHB,), jnp.int32),
        pltpu.VMEM((CHB,), jnp.float32),
        pltpu.VMEM((CHB,), jnp.float32),
        pltpu.VMEM_SHARED((NP,), jnp.float32),
        pltpu.VMEM_SHARED((NP,), jnp.float32),
        pltpu.SemaphoreType.DMA,
        pltpu.SemaphoreType.DMA,
    ],
)
def _sc_agg1(row_hbm, col_hbm, u_hbm, zeros_hbm, out_hbm,
             ridx_v, cidx0, cidx1, vals0, vals1, u_sh, acc_sh, sem0, sem1):
    cid = lax.axis_index("c")
    sid = lax.axis_index("s")

    @pl.when(sid == 0)
    def _():
        pltpu.sync_copy(zeros_hbm, acc_sh)

    @pl.when(sid == 1)
    def _():
        pltpu.sync_copy(u_hbm, u_sh)

    plsc.subcore_barrier()

    base = _wid() * EPT
    cidx = (cidx0, cidx1)
    vals = (vals0, vals1)
    sems = (sem0, sem1)

    def body(j, carry):
        for b in range(2):
            i = j * 2 + b

            @pl.when(j > 0)
            def _():
                pltpu.make_async_copy(vals[b], acc_sh.at[cidx[b]], sems[b]).wait()

            off = base + i * CHB
            pltpu.sync_copy(row_hbm.at[pl.ds(off, CHB)], ridx_v)
            pltpu.sync_copy(col_hbm.at[pl.ds(off, CHB)], cidx[b])
            pltpu.sync_copy(u_sh.at[ridx_v], vals[b])
            pltpu.async_copy(vals[b], acc_sh.at[cidx[b]], sems[b], add=True)
        return carry

    lax.fori_loop(0, NCHB // 2, body, 0)
    for b in range(2):
        pltpu.make_async_copy(vals[b], acc_sh.at[cidx[b]], sems[b]).wait()
    plsc.subcore_barrier()

    @pl.when(sid == 0)
    def _():
        pltpu.sync_copy(acc_sh, out_hbm.at[cid])


STRIPE = NP // NS


@functools.partial(
    pl.kernel,
    out_type=jax.ShapeDtypeStruct((NC, NP, F1), jnp.float32),
    mesh=plsc.VectorSubcoreMesh(**_MESH),
    compiler_params=_SC_PARAMS,
    scratch_types=[
        pltpu.VMEM((CH3,), jnp.int32),
        pltpu.VMEM((CH3,), jnp.int32),
        pltpu.VMEM((CH3,), jnp.int32),
        pltpu.VMEM((CH3,), jnp.int32),
        pltpu.VMEM((CH3, F1), jnp.float32),
        pltpu.VMEM((CH3, F1), jnp.float32),
        pltpu.VMEM_SHARED((NP, F1), jnp.float32),
        pltpu.SemaphoreType.DMA,
        pltpu.SemaphoreType.DMA,
    ],
)
def _sc_agg2(row_hbm, col_hbm, hv_hbm, out_hbm,
             ridx0, ridx1, cidx0, cidx1, vals0, vals1, acc_sh, sem0, sem1):
    cid = lax.axis_index("c")
    sid = lax.axis_index("s")

    def zb(i, c):
        vals0[i] = jnp.zeros((F1,), jnp.float32)
        return c

    lax.fori_loop(0, CH3, zb, 0)
    row0 = sid * STRIPE
    for k in range(STRIPE // CH3):
        pltpu.sync_copy(vals0, acc_sh.at[pl.ds(row0 + k * CH3, CH3)])
    rem = STRIPE % CH3
    if rem:
        pltpu.sync_copy(vals0.at[pl.ds(0, rem)],
                        acc_sh.at[pl.ds(row0 + (STRIPE // CH3) * CH3, rem)])
    plsc.subcore_barrier()

    base = _wid() * EPT
    ridx = (ridx0, ridx1)
    cidx = (cidx0, cidx1)
    vals = (vals0, vals1)
    sems = (sem0, sem1)

    def body(j, carry):
        for b in range(2):
            i = j * 2 + b

            @pl.when(j > 0)
            def _():
                pltpu.make_async_copy(vals[b], acc_sh.at[cidx[b]], sems[b]).wait()

            off = base + i * CH3
            pltpu.sync_copy(row_hbm.at[pl.ds(off, CH3)], ridx[b])
            pltpu.sync_copy(col_hbm.at[pl.ds(off, CH3)], cidx[b])
            pltpu.sync_copy(hv_hbm.at[ridx[b]], vals[b])
            pltpu.async_copy(vals[b], acc_sh.at[cidx[b]], sems[b], add=True)
        return carry

    lax.fori_loop(0, NCH3 // 2, body, 0)
    for b in range(2):
        pltpu.make_async_copy(vals[b], acc_sh.at[cidx[b]], sems[b]).wait()
    plsc.subcore_barrier()

    @pl.when(sid == 0)
    def _():
        pltpu.sync_copy(acc_sh, out_hbm.at[cid])


BL = NP // 8


def _tc_a_body(cnt_ref, x_ref, dis_ref, u_ref):
    deg = cnt_ref[0:1, :] + cnt_ref[1:2, :] + 1.0
    dis = lax.rsqrt(deg)
    dis_ref[...] = dis
    u_ref[...] = dis * x_ref[...]


def _tc_a(cnt, xr):
    return pl.pallas_call(
        _tc_a_body,
        grid=(8,),
        in_specs=[
            pl.BlockSpec((NC, BL), lambda g: (0, g)),
            pl.BlockSpec((1, BL), lambda g: (0, g)),
        ],
        out_specs=[
            pl.BlockSpec((1, BL), lambda g: (0, g)),
            pl.BlockSpec((1, BL), lambda g: (0, g)),
        ],
        out_shape=[
            jax.ShapeDtypeStruct((1, NP), jnp.float32),
            jax.ShapeDtypeStruct((1, NP), jnp.float32),
        ],
    )(cnt, xr)


def _tc_b_body(s1p_ref, u_ref, dis_ref, w1_ref, b1_ref, hvt_ref):
    dis = dis_ref[...]
    s1 = dis * (s1p_ref[0:1, :] + s1p_ref[1:2, :] + u_ref[...])
    h = jnp.maximum(w1_ref[...] * s1 + b1_ref[...], 0.0)
    hvt_ref[...] = dis * h


def _tc_b(s1p, u, dis, w1c, b1c):
    return pl.pallas_call(
        _tc_b_body,
        grid=(8,),
        in_specs=[
            pl.BlockSpec((NC, BL), lambda g: (0, g)),
            pl.BlockSpec((1, BL), lambda g: (0, g)),
            pl.BlockSpec((1, BL), lambda g: (0, g)),
            pl.BlockSpec((F1, 1), lambda g: (0, 0)),
            pl.BlockSpec((F1, 1), lambda g: (0, 0)),
        ],
        out_specs=pl.BlockSpec((F1, BL), lambda g: (0, g)),
        out_shape=jax.ShapeDtypeStruct((F1, NP), jnp.float32),
    )(s1p, u, dis, w1c, b1c)


NF = NP // 8
BC = NF // 8


def _roll_l(x, s):
    return jnp.concatenate([x[:, s:], x[:, :s]], axis=1)


def _tc_c_body(s2p_ref, hv_ref, disf_ref, rep_ref, w2bd_ref, b2r_ref,
               smask_ref, grp_ref, out_ref):
    disrep = jnp.dot(disf_ref[...], rep_ref[...],
                     preferred_element_type=jnp.float32)
    agg = disrep * (s2p_ref[0] + s2p_ref[1] + hv_ref[...])
    z = jnp.dot(agg, w2bd_ref[...], preferred_element_type=jnp.float32)
    z = z + b2r_ref[...]
    w = z
    for s in (1, 2, 4, 8):
        w = jnp.maximum(w, _roll_l(w, s))
    m = jnp.dot(w * smask_ref[...], grp_ref[...],
                preferred_element_type=jnp.float32)
    e = jnp.exp(z - m)
    lse = jnp.log(jnp.dot(e, grp_ref[...], preferred_element_type=jnp.float32))
    out_ref[...] = z - m - lse


def _tc_c(s2f, hvf, disf, rep, w2bd, b2r, smask, grp):
    return pl.pallas_call(
        _tc_c_body,
        grid=(8,),
        in_specs=[
            pl.BlockSpec((NC, BC, 128), lambda g: (0, g, 0)),
            pl.BlockSpec((BC, 128), lambda g: (g, 0)),
            pl.BlockSpec((BC, 8), lambda g: (g, 0)),
            pl.BlockSpec((8, 128), lambda g: (0, 0)),
            pl.BlockSpec((128, 128), lambda g: (0, 0)),
            pl.BlockSpec((1, 128), lambda g: (0, 0)),
            pl.BlockSpec((1, 128), lambda g: (0, 0)),
            pl.BlockSpec((128, 128), lambda g: (0, 0)),
        ],
        out_specs=pl.BlockSpec((BC, 128), lambda g: (g, 0)),
        out_shape=jax.ShapeDtypeStruct((NF, 128), jnp.float32),
    )(s2f, hvf, disf, rep, w2bd, b2r, smask, grp)


@jax.jit
def kernel(x, edge_index, W1, b1, W2, b2):
    row = edge_index[0]
    col = edge_index[1]

    xr = jnp.pad(x[:, 0], (0, NP - N)).reshape(1, NP)
    zeros1 = jnp.zeros((NP,), jnp.float32)
    ones_ch = jnp.ones((CHA,), jnp.float32)

    cnt = _sc_count(col, ones_ch, zeros1)
    dis, u = _tc_a(cnt, xr)
    s1p = _sc_agg1(row, col, u.reshape(NP), zeros1)
    hvt = _tc_b(s1p, u, dis, W1.reshape(F1, 1), b1.reshape(F1, 1))
    hvf = jnp.transpose(hvt).reshape(NF, 128)
    s2p = _sc_agg2(row, col, hvf.reshape(NP, F1))

    eye8 = jnp.eye(8, dtype=jnp.float32)
    w2p = jnp.zeros((F1, F2), jnp.float32).at[:, :10].set(W2)
    b2p = jnp.full((F2,), -1e30, jnp.float32).at[:10].set(b2)
    w2bd = jnp.kron(eye8, w2p)
    b2r = jnp.tile(b2p, 8).reshape(1, 128)
    rep = jnp.kron(eye8, jnp.ones((1, F2), jnp.float32))
    grp = jnp.kron(eye8, jnp.ones((F2, F2), jnp.float32))
    smask = jnp.kron(jnp.ones((1, 8), jnp.float32),
                     jnp.eye(1, F2, dtype=jnp.float32))
    disf = dis.reshape(NF, 8)
    outf = _tc_c(s2p.reshape(NC, NF, 128), hvf, disf, rep, w2bd, b2r,
                 smask, grp)
    return outf.reshape(NP, F2)[:N, :10]

# --- scband reference (transcript-rebuilt; emitter-appended) ---
"""Pipeline reference for scband-gcn-33560874451186 (READ-ONLY COPY).

The authoritative reference and input builder live on the scoring server;
editing this copy changes nothing except your own understanding.
"""

import jax, jax.numpy as jnp
import numpy as np

N = 100000
E = 3200000

def gcn_conv(x, edge_index, W, b):
    num_nodes = x.shape[0]
    row = edge_index[0]
    col = edge_index[1]
    loop = jnp.arange(num_nodes, dtype=edge_index.dtype)
    row = jnp.concatenate([row, loop])
    col = jnp.concatenate([col, loop])
    deg = jnp.zeros((num_nodes,), dtype=x.dtype).at[col].add(1.0)
    deg_inv_sqrt = jnp.where(deg > 0, 1.0 / jnp.sqrt(deg), 0.0)
    norm = deg_inv_sqrt[row] * deg_inv_sqrt[col]
    xw = x @ W
    msg = xw[row] * norm[:, None]
    out = jnp.zeros((num_nodes, W.shape[1]), dtype=x.dtype).at[col].add(msg)
    return out + b

def setup_inputs(seed: int = 0) -> dict:
    key = jax.random.key(seed)
    k1, k2, k3, k4, k5, k6 = jax.random.split(key, 6)
    x = jax.random.normal(k1, (N, 1), dtype=jnp.float32)
    edge_index = jax.random.randint(k2, (2, E), 0, N, dtype=jnp.int32)
    W1 = jax.random.normal(k3, (1, 16), dtype=jnp.float32) * (1.0 / np.sqrt(1.0))
    b1 = jnp.zeros((16,), dtype=jnp.float32)
    W2 = jax.random.normal(k4, (16, 10), dtype=jnp.float32) * (1.0 / np.sqrt(16.0))
    b2 = jnp.zeros((10,), dtype=jnp.float32)
    return {"x": x, "edge_index": edge_index, "W1": W1, "b1": b1, "W2": W2, "b2": b2}

def reference(x, edge_index, W1, b1, W2, b2):
    h = gcn_conv(x, edge_index, W1, b1)
    h = jax.nn.relu(h)
    # F.dropout(training=self.training): identity in eval mode
    h = gcn_conv(h, edge_index, W2, b2)
    return jax.nn.log_softmax(h, axis=1)

if __name__ == "__main__":
    import jax
    _d = setup_inputs()
    print(jax.jit(kernel)(*tuple(_d.values())))

</pallas_src>

<mosaic_0001>
#map = affine_map<(d0, d1) -> (0)>
#map1 = affine_map<(d0, d1) -> (0, 0)>
module attributes {stable_mosaic.version = 14 : i64} {
  func.func @_sc_count(%arg0: i32, %arg1: i32, %arg2: memref<3200000xi32, #tpu.memory_space<hbm>>, %arg3: memref<25000xf32, #tpu.memory_space<hbm>>, %arg4: memref<100352xf32, #tpu.memory_space<hbm>>, %arg5: memref<2x100352xf32, #tpu.memory_space<hbm>>, %arg6: memref<25000xi32, #tpu.memory_space<vmem>>, %arg7: memref<25000xi32, #tpu.memory_space<vmem>>, %arg8: memref<25000xf32, #tpu.memory_space<vmem>>, %arg9: memref<100352xf32, #tpu.memory_space<vmem_shared>>, %arg10: memref<!tpu.dma_semaphore, #tpu.memory_space<semaphore_mem>>, %arg11: memref<!tpu.dma_semaphore, #tpu.memory_space<semaphore_mem>>) attributes {dimension_semantics = [#tpu.dimension_semantics<core_parallel>, #tpu.dimension_semantics<subcore_parallel>], iteration_bounds = array<i64: 2, 16>, scalar_prefetch = 0 : i64, scratch_operands = 6 : i64, tpu.core_type = #tpu.core_type<sc_vector_subcore>, window_params = [{transform_indices = #map}, {transform_indices = #map}, {transform_indices = #map}, {transform_indices = #map1}]} {
    %eq3A = arith.constant 0 : i32
    %eq3A_0 = arith.cmpi eq, %arg1, %eq3A : i32
    %convert_element_type3A = arith.extui %eq3A_0 : i1 to i32
    %cond3A = arith.constant 0 : i32
    %cond3A_1 = arith.cmpi ne, %convert_element_type3A, %cond3A : i32
    scf.if %cond3A_1 {
      "tpu.region"() ({
        %run_scoped3A = tpu.sem_alloc : memref<!tpu.dma_semaphore, #tpu.memory_space<semaphore_mem>>
        tpu.enqueue_dma source(%arg4 : memref<100352xf32, #tpu.memory_space<hbm>>) target(%arg9 : memref<100352xf32, #tpu.memory_space<vmem_shared>>) target_semaphore(%run_scoped3A : memref<!tpu.dma_semaphore, #tpu.memory_space<semaphore_mem>>)
        tpu.wait_dma2 semaphore(%run_scoped3A : memref<!tpu.dma_semaphore, #tpu.memory_space<semaphore_mem>>) src(%arg4 : memref<100352xf32, #tpu.memory_space<hbm>>) dst(%arg9 : memref<100352xf32, #tpu.memory_space<vmem_shared>>)
        tpu.yield
      }) : () -> ()
    } else {
    }
    "tpu.region"() ({
      %run_scoped3A = tpu.sem_alloc : memref<!tpu.dma_semaphore, #tpu.memory_space<semaphore_mem>>
      tpu.enqueue_dma source(%arg3 : memref<25000xf32, #tpu.memory_space<hbm>>) target(%arg8 : memref<25000xf32, #tpu.memory_space<vmem>>) target_semaphore(%run_scoped3A : memref<!tpu.dma_semaphore, #tpu.memory_space<semaphore_mem>>)
      tpu.wait_dma2 semaphore(%run_scoped3A : memref<!tpu.dma_semaphore, #tpu.memory_space<semaphore_mem>>) src(%arg3 : memref<25000xf32, #tpu.memory_space<hbm>>) dst(%arg8 : memref<25000xf32, #tpu.memory_space<vmem>>)
      tpu.yield
    }) : () -> ()
    %barrier3A = arith.constant 0 : index
    tpu.barrier barrier_id(%barrier3A)
    %mul3A = arith.constant 16 : i32
    %mul3A_2 = arith.muli %arg0, %mul3A : i32
    %add3A = arith.addi %mul3A_2, %arg1 : i32
    %mul3A_3 = arith.constant 100000 : i32
    %mul3A_4 = arith.muli %add3A, %mul3A_3 : i32
    %scan3A = arith.constant 0 : i32
    %scan3A_5 = arith.constant 0 : i32
    %scan3A_6 = arith.constant 2 : i32
    %scan3A_7 = arith.addi %scan3A_5, %scan3A_6 : i32
    %scan3A_8 = arith.constant 1 : i32
    scf.for %scan3A_19 = %scan3A_5 to %scan3A_7 step %scan3A_8  : i32 {
      %mul3A_20 = arith.constant 2 : i32
      %mul3A_21 = arith.muli %scan3A_19, %mul3A_20 : i32
      %add3A_22 = arith.constant 0 : i32
      %add3A_23 = arith.addi %mul3A_21, %add3A_22 : i32
      %gt3A = arith.constant 0 : i32
      %gt3A_24 = arith.cmpi sgt, %scan3A_19, %gt3A : i32
      %convert_element_type3A_25 = arith.extui %gt3A_24 : i1 to i32
      %cond3A_26 = arith.constant 0 : i32
      %cond3A_27 = arith.cmpi ne, %convert_element_type3A_25, %cond3A_26 : i32
      scf.if %cond3A_27 {
        %dma_wait3A_46 = arith.constant 0 : i32
        %dma_wait3A_47 = tpu.memref_slice %arg9[%dma_wait3A_46] : memref<100352xf32, #tpu.memory_space<vmem_shared>> -> memref<100352xf32, #tpu.memory_space<vmem_shared>>
        tpu.wait_indirect_dma semaphore(%arg10 : memref<!tpu.dma_semaphore, #tpu.memory_space<semaphore_mem>>) src(%arg8 : memref<25000xf32, #tpu.memory_space<vmem>>) dst(%dma_wait3A_47 : memref<100352xf32, #tpu.memory_space<vmem_shared>>)
      } else {
      }
      %mul3A_28 = arith.constant 25000 : i32
      %mul3A_29 = arith.muli %add3A_23, %mul3A_28 : i32
      %add3A_30 = arith.addi %mul3A_4, %mul3A_29 : i32
      "tpu.region"() ({
        %run_scoped3A = tpu.sem_alloc : memref<!tpu.dma_semaphore, #tpu.memory_space<semaphore_mem>>
        %dma_start3A_46 = tpu.memref_slice %arg2[%add3A_30] : memref<3200000xi32, #tpu.memory_space<hbm>> -> memref<25000xi32, #tpu.memory_space<hbm>>
        %dma_start3A_47 = tpu.memref_slice %arg2[%add3A_30] : memref<3200000xi32, #tpu.memory_space<hbm>> -> memref<25000xi32, #tpu.memory_space<hbm>>
        tpu.enqueue_dma source(%dma_start3A_47 : memref<25000xi32, #tpu.memory_space<hbm>>) target(%arg6 : memref<25000xi32, #tpu.memory_space<vmem>>) target_semaphore(%run_scoped3A : memref<!tpu.dma_semaphore, #tpu.memory_space<semaphore_mem>>)
        %dma_wait3A_48 = tpu.memref_slice %arg2[%add3A_30] : memref<3200000xi32, #tpu.memory_space<hbm>> -> memref<25000xi32, #tpu.memory_space<hbm>>
        %dma_wait3A_49 = tpu.memref_slice %arg2[%add3A_30] : memref<3200000xi32, #tpu.memory_space<hbm>> -> memref<25000xi32, #tpu.memory_space<hbm>>
        tpu.wait_dma2 semaphore(%run_scoped3A : memref<!tpu.dma_semaphore, #tpu.memory_space<semaphore_mem>>) src(%dma_wait3A_49 : memref<25000xi32, #tpu.memory_space<hbm>>) dst(%arg6 : memref<25000xi32, #tpu.memory_space<vmem>>)
        tpu.yield
      }) : () -> ()
      %dma_start3A = arith.constant 0 : i32
      %dma_start3A_31 = tpu.memref_slice %arg9[%dma_start3A] : memref<100352xf32, #tpu.memory_space<vmem_shared>> -> memref<100352xf32, #tpu.memory_space<vmem_shared>>
      tpu.enqueue_indirect_dma source(%arg8 : memref<25000xf32, #tpu.memory_space<vmem>>) target(%dma_start3A_31 : memref<100352xf32, #tpu.memory_space<vmem_shared>>) offsets(%arg6 : memref<25000xi32, #tpu.memory_space<vmem>>) semaphore(%arg10 : memref<!tpu.dma_semaphore, #tpu.memory_space<semaphore_mem>>) {add = true}
      %mul3A_32 = arith.constant 2 : i32
      %mul3A_33 = arith.muli %scan3A_19, %mul3A_32 : i32
      %add3A_34 = arith.constant 1 : i32
      %add3A_35 = arith.addi %mul3A_33, %add3A_34 : i32
      %gt3A_36 = arith.constant 0 : i32
      %gt3A_37 = arith.cmpi sgt, %scan3A_19, %gt3A_36 : i32
      %convert_element_type3A_38 = arith.extui %gt3A_37 : i1 to i32
      %cond3A_39 = arith.constant 0 : i32
      %cond3A_40 = arith.cmpi ne, %convert_element_type3A_38, %cond3A_39 : i32
      scf.if %cond3A_40 {
        %dma_wait3A_46 = arith.constant 0 : i32
        %dma_wait3A_47 = tpu.memref_slice %arg9[%dma_wait3A_46] : memref<100352xf32, #tpu.memory_space<vmem_shared>> -> memref<100352xf32, #tpu.memory_space<vmem_shared>>
        tpu.wait_indirect_dma semaphore(%arg11 : memref<!tpu.dma_semaphore, #tpu.memory_space<semaphore_mem>>) src(%arg8 : memref<25000xf32, #tpu.memory_space<vmem>>) dst(%dma_wait3A_47 : memref<100352xf32, #tpu.memory_space<vmem_shared>>)
      } else {
      }
      %mul3A_41 = arith.constant 25000 : i32
      %mul3A_42 = arith.muli %add3A_35, %mul3A_41 : i32
      %add3A_43 = arith.addi %mul3A_4, %mul3A_42 : i32
      "tpu.region"() ({
        %run_scoped3A = tpu.sem_alloc : memref<!tpu.dma_semaphore, #tpu.memory_space<semaphore_mem>>
        %dma_start3A_46 = tpu.memref_slice %arg2[%add3A_43] : memref<3200000xi32, #tpu.memory_space<hbm>> -> memref<25000xi32, #tpu.memory_space<hbm>>
        %dma_start3A_47 = tpu.memref_slice %arg2[%add3A_43] : memref<3200000xi32, #tpu.memory_space<hbm>> -> memref<25000xi32, #tpu.memory_space<hbm>>
        tpu.enqueue_dma source(%dma_start3A_47 : memref<25000xi32, #tpu.memory_space<hbm>>) target(%arg7 : memref<25000xi32, #tpu.memory_space<vmem>>) target_semaphore(%run_scoped3A : memref<!tpu.dma_semaphore, #tpu.memory_space<semaphore_mem>>)
        %dma_wait3A_48 = tpu.memref_slice %arg2[%add3A_43] : memref<3200000xi32, #tpu.memory_space<hbm>> -> memref<25000xi32, #tpu.memory_space<hbm>>
        %dma_wait3A_49 = tpu.memref_slice %arg2[%add3A_43] : memref<3200000xi32, #tpu.memory_space<hbm>> -> memref<25000xi32, #tpu.memory_space<hbm>>
        tpu.wait_dma2 semaphore(%run_scoped3A : memref<!tpu.dma_semaphore, #tpu.memory_space<semaphore_mem>>) src(%dma_wait3A_49 : memref<25000xi32, #tpu.memory_space<hbm>>) dst(%arg7 : memref<25000xi32, #tpu.memory_space<vmem>>)
        tpu.yield
      }) : () -> ()
      %dma_start3A_44 = arith.constant 0 : i32
      %dma_start3A_45 = tpu.memref_slice %arg9[%dma_start3A_44] : memref<100352xf32, #tpu.memory_space<vmem_shared>> -> memref<100352xf32, #tpu.memory_space<vmem_shared>>
      tpu.enqueue_indirect_dma source(%arg8 : memref<25000xf32, #tpu.memory_space<vmem>>) target(%dma_start3A_45 : memref<100352xf32, #tpu.memory_space<vmem_shared>>) offsets(%arg7 : memref<25000xi32, #tpu.memory_space<vmem>>) semaphore(%arg11 : memref<!tpu.dma_semaphore, #tpu.memory_space<semaphore_mem>>) {add = true}
    }
    %scan3A_9 = arith.constant 2 : i32
    %dma_wait3A = arith.constant 0 : i32
    %dma_wait3A_10 = tpu.memref_slice %arg9[%dma_wait3A] : memref<100352xf32, #tpu.memory_space<vmem_shared>> -> memref<100352xf32, #tpu.memory_space<vmem_shared>>
    tpu.wait_indirect_dma semaphore(%arg10 : memref<!tpu.dma_semaphore, #tpu.memory_space<semaphore_mem>>) src(%arg8 : memref<25000xf32, #tpu.memory_space<vmem>>) dst(%dma_wait3A_10 : memref<100352xf32, #tpu.memory_space<vmem_shared>>)
    %dma_wait3A_11 = arith.constant 0 : i32
    %dma_wait3A_12 = tpu.memref_slice %arg9[%dma_wait3A_11] : memref<100352xf32, #tpu.memory_space<vmem_shared>> -> memref<100352xf32, #tpu.memory_space<vmem_shared>>
    tpu.wait_indirect_dma semaphore(%arg11 : memref<!tpu.dma_semaphore, #tpu.memory_space<semaphore_mem>>) src(%arg8 : memref<25000xf32, #tpu.memory_space<vmem>>) dst(%dma_wait3A_12 : memref<100352xf32, #tpu.memory_space<vmem_shared>>)
    %barrier3A_13 = arith.constant 0 : index
    tpu.barrier barrier_id(%barrier3A_13)
    %eq3A_14 = arith.constant 0 : i32
    %eq3A_15 = arith.cmpi eq, %arg1, %eq3A_14 : i32
    %convert_element_type3A_16 = arith.extui %eq3A_15 : i1 to i32
    %cond3A_17 = arith.constant 0 : i32
    %cond3A_18 = arith.cmpi ne, %convert_element_type3A_16, %cond3A_17 : i32
    scf.if %cond3A_18 {
      "tpu.region"() ({
        %run_scoped3A = tpu.sem_alloc : memref<!tpu.dma_semaphore, #tpu.memory_space<semaphore_mem>>
        %dma_start3A = arith.constant 0 : i32
        %dma_start3A_19 = tpu.memref_slice %arg5[%arg0, %dma_start3A] : memref<2x100352xf32, #tpu.memory_space<hbm>> -> memref<1x100352xf32, #tpu.memory_space<hbm>>
        %dma_start3A_20 = tpu.memref_squeeze %dma_start3A_19 : memref<1x100352xf32, #tpu.memory_space<hbm>> -> memref<100352xf32, #tpu.memory_space<hbm>>
        tpu.enqueue_dma source(%arg9 : memref<100352xf32, #tpu.memory_space<vmem_shared>>) target(%dma_start3A_20 : memref<100352xf32, #tpu.memory_space<hbm>>) target_semaphore(%run_scoped3A : memref<!tpu.dma_semaphore, #tpu.memory_space<semaphore_mem>>)
        %dma_wait3A_21 = arith.constant 0 : i32
        %dma_wait3A_22 = tpu.memref_slice %arg5[%arg0, %dma_wait3A_21] : memref<2x100352xf32, #tpu.memory_space<hbm>> -> memref<1x100352xf32, #tpu.memory_space<hbm>>
        %dma_wait3A_23 = tpu.memref_squeeze %dma_wait3A_22 : memref<1x100352xf32, #tpu.memory_space<hbm>> -> memref<100352xf32, #tpu.memory_space<hbm>>
        tpu.wait_dma2 semaphore(%run_scoped3A : memref<!tpu.dma_semaphore, #tpu.memory_space<semaphore_mem>>) src(%arg9 : memref<100352xf32, #tpu.memory_space<vmem_shared>>) dst(%dma_wait3A_23 : memref<100352xf32, #tpu.memory_space<hbm>>)
        tpu.yield
      }) : () -> ()
    } else {
    }
    return
  }
}

#map = affine_map<(d0, d1) -> (0)>
#map1 = affine_map<(d0, d1) -> (0, 0)>
#map2 = affine_map<(d0, d1) -> (0, 0, 0)>
module attributes {stable_mosaic.version = 14 : i64} {
  func.func @_sc_agg2(%arg0: i32, %arg1: i32, %arg2: memref<3200000xi32, #tpu.memory_space<hbm>>, %arg3: memref<3200000xi32, #tpu.memory_space<hbm>>, %arg4: memref<100352x16xf32, #tpu.memory_space<hbm>>, %arg5: memref<2x100352x16xf32, #tpu.memory_space<hbm>>, %arg6: memref<800xi32, #tpu.memory_space<vmem>>, %arg7: memref<800xi32, #tpu.memory_space<vmem>>, %arg8: memref<800xi32, #tpu.memory_space<vmem>>, %arg9: memref<800xi32, #tpu.memory_space<vmem>>, %arg10: memref<800x16xf32, #tpu.memory_space<vmem>>, %arg11: memref<800x16xf32, #tpu.memory_space<vmem>>, %arg12: memref<100352x16xf32, #tpu.memory_space<vmem_shared>>, %arg13: memref<!tpu.dma_semaphore, #tpu.memory_space<semaphore_mem>>, %arg14: memref<!tpu.dma_semaphore, #tpu.memory_space<semaphore_mem>>) attributes {dimension_semantics = [#tpu.dimension_semantics<core_parallel>, #tpu.dimension_semantics<subcore_parallel>], iteration_bounds = array<i64: 2, 16>, scalar_prefetch = 0 : i64, scratch_operands = 9 : i64, tpu.core_type = #tpu.core_type<sc_vector_subcore>, window_params = [{transform_indices = #map}, {transform_indices = #map}, {transform_indices = #map1}, {transform_indices = #map2}]} {
    %scan3A = arith.constant 0 : i32
    %scan3A_0 = arith.constant 0 : i32
    %scan3A_1 = arith.constant 800 : i32
    %scan3A_2 = arith.addi %scan3A_0, %scan3A_1 : i32
    %scan3A_3 = arith.constant 1 : i32
    scf.for %scan3A_40 = %scan3A_0 to %scan3A_2 step %scan3A_3  : i32 {
      %broadcast_in_dim3A = arith.constant 0.000000e+00 : f32
      %broadcast_in_dim3A_41 = vector.broadcast %broadcast_in_dim3A : f32 to vector<16xf32>
      %swap3A = arith.index_cast %scan3A_40 : i32 to index
      %swap3A_42 = arith.constant 0 : index
      %swap3A_43 = tpu.vector_load %arg10[%swap3A, %swap3A_42] {strides = array<i32>} : memref<800x16xf32, #tpu.memory_space<vmem>>, vector<1x16xf32>,
      %swap3A_44 = vector.shape_cast %swap3A_43 : vector<1x16xf32> to vector<16xf32>
      %swap3A_45 = vector.shape_cast %broadcast_in_dim3A_41 : vector<16xf32> to vector<1x16xf32>
      tpu.vector_store %arg10[%swap3A, %swap3A_42], %swap3A_45 {strides = array<i32>} : memref<800x16xf32, #tpu.memory_space<vmem>>, vector<1x16xf32>,
    }
    %scan3A_4 = arith.constant 800 : i32
    %mul3A = arith.constant 6272 : i32
    %mul3A_5 = arith.muli %arg1, %mul3A : i32
    %add3A = arith.constant 0 : i32
    %add3A_6 = arith.addi %mul3A_5, %add3A : i32
    "tpu.region"() ({
      %run_scoped3A = tpu.sem_alloc : memref<!tpu.dma_semaphore, #tpu.memory_space<semaphore_mem>>
      %dma_start3A = arith.constant 0 : i32
      %dma_start3A_40 = tpu.memref_slice %arg12[%add3A_6, %dma_start3A] : memref<100352x16xf32, #tpu.memory_space<vmem_shared>> -> memref<800x16xf32, #tpu.memory_space<vmem_shared>>
      %dma_start3A_41 = arith.constant 0 : i32
      %dma_start3A_42 = tpu.memref_slice %arg12[%add3A_6, %dma_start3A_41] : memref<100352x16xf32, #tpu.memory_space<vmem_shared>> -> memref<800x16xf32, #tpu.memory_space<vmem_shared>>
      tpu.enqueue_dma source(%arg10 : memref<800x16xf32, #tpu.memory_space<vmem>>) target(%dma_start3A_42 : memref<800x16xf32, #tpu.memory_space<vmem_shared>>) target_semaphore(%run_scoped3A : memref<!tpu.dma_semaphore, #tpu.memory_space<semaphore_mem>>)
      %dma_wait3A_43 = arith.constant 0 : i32
      %dma_wait3A_44 = tpu.memref_slice %arg12[%add3A_6, %dma_wait3A_43] : memref<100352x16xf32, #tpu.memory_space<vmem_shared>> -> memref<800x16xf32, #tpu.memory_space<vmem_shared>>
      %dma_wait3A_45 = arith.constant 0 : i32
      %dma_wait3A_46 = tpu.memref_slice %arg12[%add3A_6, %dma_wait3A_45] : memref<100352x16xf32, #tpu.memory_space<vmem_shared>> -> memref<800x16xf32, #tpu.memory_space<vmem_shared>>
      tpu.wait_dma2 semaphore(%run_scoped3A : memref<!tpu.dma_semaphore, #tpu.memory_space<semaphore_mem>>) src(%arg10 : memref<800x16xf32, #tpu.memory_space<vmem>>) dst(%dma_wait3A_46 : memref<800x16xf32, #tpu.memory_space<vmem_shared>>)
      tpu.yield
    }) : () -> ()
    %add3A_7 = arith.constant 800 : i32
    %add3A_8 = arith.addi %mul3A_5, %add3A_7 : i32
    "tpu.region"() ({
      %run_scoped3A = tpu.sem_alloc : memref<!tpu.dma_semaphore, #tpu.memory_space<semaphore_mem>>
      %dma_start3A = arith.constant 0 : i32
      %dma_start3A_40 = tpu.memref_slice %arg12[%add3A_8, %dma_start3A] : memref<100352x16xf32, #tpu.memory_space<vmem_shared>> -> memref<800x16xf32, #tpu.memory_space<vmem_shared>>
      %dma_start3A_41 = arith.constant 0 : i32
      %dma_start3A_42 = tpu.memref_slice %arg12[%add3A_8, %dma_start3A_41] : memref<100352x16xf32, #tpu.memory_space<vmem_shared>> -> memref<800x16xf32, #tpu.memory_space<vmem_shared>>
      tpu.enqueue_dma source(%arg10 : memref<800x16xf32, #tpu.memory_space<vmem>>) target(%dma_start3A_42 : memref<800x16xf32, #tpu.memory_space<vmem_shared>>) target_semaphore(%run_scoped3A : memref<!tpu.dma_semaphore, #tpu.memory_space<semaphore_mem>>)
      %dma_wait3A_43 = arith.constant 0 : i32
      %dma_wait3A_44 = tpu.memref_slice %arg12[%add3A_8, %dma_wait3A_43] : memref<100352x16xf32, #tpu.memory_space<vmem_shared>> -> memref<800x16xf32, #tpu.memory_space<vmem_shared>>
      %dma_wait3A_45 = arith.constant 0 : i32
      %dma_wait3A_46 = tpu.memref_slice %arg12[%add3A_8, %dma_wait3A_45] : memref<100352x16xf32, #tpu.memory_space<vmem_shared>> -> memref<800x16xf32, #tpu.memory_space<vmem_shared>>
      tpu.wait_dma2 semaphore(%run_scoped3A : memref<!tpu.dma_semaphore, #tpu.memory_space<semaphore_mem>>) src(%arg10 : memref<800x16xf32, #tpu.memory_space<vmem>>) dst(%dma_wait3A_46 : memref<800x16xf32, #tpu.memory_space<vmem_shared>>)
      tpu.yield
    }) : () -> ()
    %add3A_9 = arith.constant 1600 : i32
    %add3A_10 = arith.addi %mul3A_5, %add3A_9 : i32
    "tpu.region"() ({
      %run_scoped3A = tpu.sem_alloc : memref<!tpu.dma_semaphore, #tpu.memory_space<semaphore_mem>>
      %dma_start3A = arith.constant 0 : i32
      %dma_start3A_40 = tpu.memref_slice %arg12[%add3A_10, %dma_start3A] : memref<100352x16xf32, #tpu.memory_space<vmem_shared>> -> memref<800x16xf32, #tpu.memory_space<vmem_shared>>
      %dma_start3A_41 = arith.constant 0 : i32
      %dma_start3A_42 = tpu.memref_slice %arg12[%add3A_10, %dma_start3A_41] : memref<100352x16xf32, #tpu.memory_space<vmem_shared>> -> memref<800x16xf32, #tpu.memory_space<vmem_shared>>
      tpu.enqueue_dma source(%arg10 : memref<800x16xf32, #tpu.memory_space<vmem>>) target(%dma_start3A_42 : memref<800x16xf32, #tpu.memory_space<vmem_shared>>) target_semaphore(%run_scoped3A : memref<!tpu.dma_semaphore, #tpu.memory_space<semaphore_mem>>)
      %dma_wait3A_43 = arith.constant 0 : i32
      %dma_wait3A_44 = tpu.memref_slice %arg12[%add3A_10, %dma_wait3A_43] : memref<100352x16xf32, #tpu.memory_space<vmem_shared>> -> memref<800x16xf32, #tpu.memory_space<vmem_shared>>
      %dma_wait3A_45 = arith.constant 0 : i32
      %dma_wait3A_46 = tpu.memref_slice %arg12[%add3A_10, %dma_wait3A_45] : memref<100352x16xf32, #tpu.memory_space<vmem_shared>> -> memref<800x16xf32, #tpu.memory_space<vmem_shared>>
      tpu.wait_dma2 semaphore(%run_scoped3A : memref<!tpu.dma_semaphore, #tpu.memory_space<semaphore_mem>>) src(%arg10 : memref<800x16xf32, #tpu.memory_space<vmem>>) dst(%dma_wait3A_46 : memref<800x16xf32, #tpu.memory_space<vmem_shared>>)
      tpu.yield
    }) : () -> ()
    %add3A_11 = arith.constant 2400 : i32
    %add3A_12 = arith.addi %mul3A_5, %add3A_11 : i32
    "tpu.region"() ({
      %run_scoped3A = tpu.sem_alloc : memref<!tpu.dma_semaphore, #tpu.memory_space<semaphore_mem>>
      %dma_start3A = arith.constant 0 : i32
      %dma_start3A_40 = tpu.memref_slice %arg12[%add3A_12, %dma_start3A] : memref<100352x16xf32, #tpu.memory_space<vmem_shared>> -> memref<800x16xf32, #tpu.memory_space<vmem_shared>>
      %dma_start3A_41 = arith.constant 0 : i32
      %dma_start3A_42 = tpu.memref_slice %arg12[%add3A_12, %dma_start3A_41] : memref<100352x16xf32, #tpu.memory_space<vmem_shared>> -> memref<800x16xf32, #tpu.memory_space<vmem_shared>>
      tpu.enqueue_dma source(%arg10 : memref<800x16xf32, #tpu.memory_space<vmem>>) target(%dma_start3A_42 : memref<800x16xf32, #tpu.memory_space<vmem_shared>>) target_semaphore(%run_scoped3A : memref<!tpu.dma_semaphore, #tpu.memory_space<semaphore_mem>>)
      %dma_wait3A_43 = arith.constant 0 : i32
      %dma_wait3A_44 = tpu.memref_slice %arg12[%add3A_12, %dma_wait3A_43] : memref<100352x16xf32, #tpu.memory_space<vmem_shared>> -> memref<800x16xf32, #tpu.memory_space<vmem_shared>>
      %dma_wait3A_45 = arith.constant 0 : i32
      %dma_wait3A_46 = tpu.memref_slice %arg12[%add3A_12, %dma_wait3A_45] : memref<100352x16xf32, #tpu.memory_space<vmem_shared>> -> memref<800x16xf32, #tpu.memory_space<vmem_shared>>
      tpu.wait_dma2 semaphore(%run_scoped3A : memref<!tpu.dma_semaphore, #tpu.memory_space<semaphore_mem>>) src(%arg10 : memref<800x16xf32, #tpu.memory_space<vmem>>) dst(%dma_wait3A_46 : memref<800x16xf32, #tpu.memory_space<vmem_shared>>)
      tpu.yield
    }) : () -> ()
    %add3A_13 = arith.constant 3200 : i32
    %add3A_14 = arith.addi %mul3A_5, %add3A_13 : i32
    "tpu.region"() ({
      %run_scoped3A = tpu.sem_alloc : memref<!tpu.dma_semaphore, #tpu.memory_space<semaphore_mem>>
      %dma_start3A = arith.constant 0 : i32
      %dma_start3A_40 = tpu.memref_slice %arg12[%add3A_14, %dma_start3A] : memref<100352x16xf32, #tpu.memory_space<vmem_shared>> -> memref<800x16xf32, #tpu.memory_space<vmem_shared>>
      %dma_start3A_41 = arith.constant 0 : i32
      %dma_start3A_42 = tpu.memref_slice %arg12[%add3A_14, %dma_start3A_41] : memref<100352x16xf32, #tpu.memory_space<vmem_shared>> -> memref<800x16xf32, #tpu.memory_space<vmem_shared>>
      tpu.enqueue_dma source(%arg10 : memref<800x16xf32, #tpu.memory_space<vmem>>) target(%dma_start3A_42 : memref<800x16xf32, #tpu.memory_space<vmem_shared>>) target_semaphore(%run_scoped3A : memref<!tpu.dma_semaphore, #tpu.memory_space<semaphore_mem>>)
      %dma_wait3A_43 = arith.constant 0 : i32
      %dma_wait3A_44 = tpu.memref_slice %arg12[%add3A_14, %dma_wait3A_43] : memref<100352x16xf32, #tpu.memory_space<vmem_shared>> -> memref<800x16xf32, #tpu.memory_space<vmem_shared>>
      %dma_wait3A_45 = arith.constant 0 : i32
      %dma_wait3A_46 = tpu.memref_slice %arg12[%add3A_14, %dma_wait3A_45] : memref<100352x16xf32, #tpu.memory_space<vmem_shared>> -> memref<800x16xf32, #tpu.memory_space<vmem_shared>>
      tpu.wait_dma2 semaphore(%run_scoped3A : memref<!tpu.dma_semaphore, #tpu.memory_space<semaphore_mem>>) src(%arg10 : memref<800x16xf32, #tpu.memory_space<vmem>>) dst(%dma_wait3A_46 : memref<800x16xf32, #tpu.memory_space<vmem_shared>>)
      tpu.yield
    }) : () -> ()
    %add3A_15 = arith.constant 4000 : i32
    %add3A_16 = arith.addi %mul3A_5, %add3A_15 : i32
    "tpu.region"() ({
      %run_scoped3A = tpu.sem_alloc : memref<!tpu.dma_semaphore, #tpu.memory_space<semaphore_mem>>
      %dma_start3A = arith.constant 0 : i32
      %dma_start3A_40 = tpu.memref_slice %arg12[%add3A_16, %dma_start3A] : memref<100352x16xf32, #tpu.memory_space<vmem_shared>> -> memref<800x16xf32, #tpu.memory_space<vmem_shared>>
      %dma_start3A_41 = arith.constant 0 : i32
      %dma_start3A_42 = tpu.memref_slice %arg12[%add3A_16, %dma_start3A_41] : memref<100352x16xf32, #tpu.memory_space<vmem_shared>> -> memref<800x16xf32, #tpu.memory_space<vmem_shared>>
      tpu.enqueue_dma source(%arg10 : memref<800x16xf32, #tpu.memory_space<vmem>>) target(%dma_start3A_42 : memref<800x16xf32, #tpu.memory_space<vmem_shared>>) target_semaphore(%run_scoped3A : memref<!tpu.dma_semaphore, #tpu.memory_space<semaphore_mem>>)
      %dma_wait3A_43 = arith.constant 0 : i32
      %dma_wait3A_44 = tpu.memref_slice %arg12[%add3A_16, %dma_wait3A_43] : memref<100352x16xf32, #tpu.memory_space<vmem_shared>> -> memref<800x16xf32, #tpu.memory_space<vmem_shared>>
      %dma_wait3A_45 = arith.constant 0 : i32
      %dma_wait3A_46 = tpu.memref_slice %arg12[%add3A_16, %dma_wait3A_45] : memref<100352x16xf32, #tpu.memory_space<vmem_shared>> -> memref<800x16xf32, #tpu.memory_space<vmem_shared>>
      tpu.wait_dma2 semaphore(%run_scoped3A : memref<!tpu.dma_semaphore, #tpu.memory_space<semaphore_mem>>) src(%arg10 : memref<800x16xf32, #tpu.memory_space<vmem>>) dst(%dma_wait3A_46 : memref<800x16xf32, #tpu.memory_space<vmem_shared>>)
      tpu.yield
    }) : () -> ()
    %add3A_17 = arith.constant 4800 : i32
    %add3A_18 = arith.addi %mul3A_5, %add3A_17 : i32
    "tpu.region"() ({
      %run_scoped3A = tpu.sem_alloc : memref<!tpu.dma_semaphore, #tpu.memory_space<semaphore_mem>>
      %dma_start3A = arith.constant 0 : i32
      %dma_start3A_40 = tpu.memref_slice %arg12[%add3A_18, %dma_start3A] : memref<100352x16xf32, #tpu.memory_space<vmem_shared>> -> memref<800x16xf32, #tpu.memory_space<vmem_shared>>
      %dma_start3A_41 = arith.constant 0 : i32
      %dma_start3A_42 = tpu.memref_slice %arg12[%add3A_18, %dma_start3A_41] : memref<100352x16xf32, #tpu.memory_space<vmem_shared>> -> memref<800x16xf32, #tpu.memory_space<vmem_shared>>
      tpu.enqueue_dma source(%arg10 : memref<800x16xf32, #tpu.memory_space<vmem>>) target(%dma_start3A_42 : memref<800x16xf32, #tpu.memory_space<vmem_shared>>) target_semaphore(%run_scoped3A : memref<!tpu.dma_semaphore, #tpu.memory_space<semaphore_mem>>)
      %dma_wait3A_43 = arith.constant 0 : i32
      %dma_wait3A_44 = tpu.memref_slice %arg12[%add3A_18, %dma_wait3A_43] : memref<100352x16xf32, #tpu.memory_space<vmem_shared>> -> memref<800x16xf32, #tpu.memory_space<vmem_shared>>
      %dma_wait3A_45 = arith.constant 0 : i32
      %dma_wait3A_46 = tpu.memref_slice %arg12[%add3A_18, %dma_wait3A_45] : memref<100352x16xf32, #tpu.memory_space<vmem_shared>> -> memref<800x16xf32, #tpu.memory_space<vmem_shared>>
      tpu.wait_dma2 semaphore(%run_scoped3A : memref<!tpu.dma_semaphore, #tpu.memory_space<semaphore_mem>>) src(%arg10 : memref<800x16xf32, #tpu.memory_space<vmem>>) dst(%dma_wait3A_46 : memref<800x16xf32, #tpu.memory_space<vmem_shared>>)
      tpu.yield
    }) : () -> ()
    %add3A_19 = arith.constant 5600 : i32
    %add3A_20 = arith.addi %mul3A_5, %add3A_19 : i32
    "tpu.region"() ({
      %run_scoped3A = tpu.sem_alloc : memref<!tpu.dma_semaphore, #tpu.memory_space<semaphore_mem>>
      %dma_start3A = arith.constant 0 : i32
      %dma_start3A_40 = arith.constant 0 : i32
      %dma_start3A_41 = tpu.memref_slice %arg10[%dma_start3A, %dma_start3A_40] : memref<800x16xf32, #tpu.memory_space<vmem>> -> memref<672x16xf32, #tpu.memory_space<vmem>>
      %dma_start3A_42 = arith.constant 0 : i32
      %dma_start3A_43 = tpu.memref_slice %arg12[%add3A_20, %dma_start3A_42] : memref<100352x16xf32, #tpu.memory_space<vmem_shared>> -> memref<672x16xf32, #tpu.memory_space<vmem_shared>>
      %dma_start3A_44 = arith.constant 0 : i32
      %dma_start3A_45 = tpu.memref_slice %arg12[%add3A_20, %dma_start3A_44] : memref<100352x16xf32, #tpu.memory_space<vmem_shared>> -> memref<672x16xf32, #tpu.memory_space<vmem_shared>>
      %dma_start3A_46 = arith.constant 0 : i32
      %dma_start3A_47 = arith.constant 0 : i32
      %dma_start3A_48 = tpu.memref_slice %arg10[%dma_start3A_46, %dma_start3A_47] : memref<800x16xf32, #tpu.memory_space<vmem>> -> memref<672x16xf32, #tpu.memory_space<vmem>>
      tpu.enqueue_dma source(%dma_start3A_48 : memref<672x16xf32, #tpu.memory_space<vmem>>) target(%dma_start3A_45 : memref<672x16xf32, #tpu.memory_space<vmem_shared>>) target_semaphore(%run_scoped3A : memref<!tpu.dma_semaphore, #tpu.memory_space<semaphore_mem>>)
      %dma_wait3A_49 = arith.constant 0 : i32
      %dma_wait3A_50 = arith.constant 0 : i32
      %dma_wait3A_51 = tpu.memref_slice %arg10[%dma_wait3A_49, %dma_wait3A_50] : memref<800x16xf32, #tpu.memory_space<vmem>> -> memref<672x16xf32, #tpu.memory_space<vmem>>
      %dma_wait3A_52 = arith.constant 0 : i32
      %dma_wait3A_53 = tpu.memref_slice %arg12[%add3A_20, %dma_wait3A_52] : memref<100352x16xf32, #tpu.memory_space<vmem_shared>> -> memref<672x16xf32, #tpu.memory_space<vmem_shared>>
      %dma_wait3A_54 = arith.constant 0 : i32
      %dma_wait3A_55 = tpu.memref_slice %arg12[%add3A_20, %dma_wait3A_54] : memref<100352x16xf32, #tpu.memory_space<vmem_shared>> -> memref<672x16xf32, #tpu.memory_space<vmem_shared>>
      %dma_wait3A_56 = arith.constant 0 : i32
      %dma_wait3A_57 = arith.constant 0 : i32
      %dma_wait3A_58 = tpu.memref_slice %arg10[%dma_wait3A_56, %dma_wait3A_57] : memref<800x16xf32, #tpu.memory_space<vmem>> -> memref<672x16xf32, #tpu.memory_space<vmem>>
      tpu.wait_dma2 semaphore(%run_scoped3A : memref<!tpu.dma_semaphore, #tpu.memory_space<semaphore_mem>>) src(%dma_wait3A_58 : memref<672x16xf32, #tpu.memory_space<vmem>>) dst(%dma_wait3A_55 : memref<672x16xf32, #tpu.memory_space<vmem_shared>>)
      tpu.yield
    }) : () -> ()
    %barrier3A = arith.constant 0 : index
    tpu.barrier barrier_id(%barrier3A)
    %mul3A_21 = arith.constant 16 : i32
    %mul3A_22 = arith.muli %arg0, %mul3A_21 : i32
    %add3A_23 = arith.addi %mul3A_22, %arg1 : i32
    %mul3A_24 = arith.constant 100000 : i32
    %mul3A_25 = arith.muli %add3A_23, %mul3A_24 : i32
    %scan3A_26 = arith.constant 0 : i32
    %scan3A_27 = arith.constant 0 : i32
    %scan3A_28 = arith.constant 62 : i32
    %scan3A_29 = arith.addi %scan3A_27, %scan3A_28 : i32
    %scan3A_30 = arith.constant 1 : i32
    scf.for %scan3A_40 = %scan3A_27 to %scan3A_29 step %scan3A_30  : i32 {
      %mul3A_41 = arith.constant 2 : i32
      %mul3A_42 = arith.muli %scan3A_40, %mul3A_41 : i32
      %add3A_43 = arith.constant 0 : i32
      %add3A_44 = arith.addi %mul3A_42, %add3A_43 : i32
      %gt3A = arith.constant 0 : i32
      %gt3A_45 = arith.cmpi sgt, %scan3A_40, %gt3A : i32
      %convert_element_type3A_46 = arith.extui %gt3A_45 : i1 to i32
      %cond3A_47 = arith.constant 0 : i32
      %cond3A_48 = arith.cmpi ne, %convert_element_type3A_46, %cond3A_47 : i32
      scf.if %cond3A_48 {
        %dma_wait3A_69 = arith.constant 0 : i32
        %dma_wait3A_70 = arith.constant 0 : i32
        %dma_wait3A_71 = tpu.memref_slice %arg12[%dma_wait3A_69, %dma_wait3A_70] : memref<100352x16xf32, #tpu.memory_space<vmem_shared>> -> memref<100352x16xf32, #tpu.memory_space<vmem_shared>>
        tpu.wait_indirect_dma semaphore(%arg13 : memref<!tpu.dma_semaphore, #tpu.memory_space<semaphore_mem>>) src(%arg10 : memref<800x16xf32, #tpu.memory_space<vmem>>) dst(%dma_wait3A_71 : memref<100352x16xf32, #tpu.memory_space<vmem_shared>>)
      } else {
      }
      %mul3A_49 = arith.constant 800 : i32
      %mul3A_50 = arith.muli %add3A_44, %mul3A_49 : i32
      %add3A_51 = arith.addi %mul3A_25, %mul3A_50 : i32
      "tpu.region"() ({
        %run_scoped3A = tpu.sem_alloc : memref<!tpu.dma_semaphore, #tpu.memory_space<semaphore_mem>>
        %dma_start3A_69 = tpu.memref_slice %arg2[%add3A_51] : memref<3200000xi32, #tpu.memory_space<hbm>> -> memref<800xi32, #tpu.memory_space<hbm>>
        %dma_start3A_70 = tpu.memref_slice %arg2[%add3A_51] : memref<3200000xi32, #tpu.memory_space<hbm>> -> memref<800xi32, #tpu.memory_space<hbm>>
        tpu.enqueue_dma source(%dma_start3A_70 : memref<800xi32, #tpu.memory_space<hbm>>) target(%arg6 : memref<800xi32, #tpu.memory_space<vmem>>) target_semaphore(%run_scoped3A : memref<!tpu.dma_semaphore, #tpu.memory_space<semaphore_mem>>)
        %dma_wait3A_71 = tpu.memref_slice %arg2[%add3A_51] : memref<3200000xi32, #tpu.memory_space<hbm>> -> memref<800xi32, #tpu.memory_space<hbm>>
        %dma_wait3A_72 = tpu.memref_slice %arg2[%add3A_51] : memref<3200000xi32, #tpu.memory_space<hbm>> -> memref<800xi32, #tpu.memory_space<hbm>>
        tpu.wait_dma2 semaphore(%run_scoped3A : memref<!tpu.dma_semaphore, #tpu.memory_space<semaphore_mem>>) src(%dma_wait3A_72 : memref<800xi32, #tpu.memory_space<hbm>>) dst(%arg6 : memref<800xi32, #tpu.memory_space<vmem>>)
        tpu.yield
      }) : () -> ()
      "tpu.region"() ({
        %run_scoped3A = tpu.sem_alloc : memref<!tpu.dma_semaphore, #tpu.memory_space<semaphore_mem>>
        %dma_start3A_69 = tpu.memref_slice %arg3[%add3A_51] : memref<3200000xi32, #tpu.memory_space<hbm>> -> memref<800xi32, #tpu.memory_space<hbm>>
        %dma_start3A_70 = tpu.memref_slice %arg3[%add3A_51] : memref<3200000xi32, #tpu.memory_space<hbm>> -> memref<800xi32, #tpu.memory_space<hbm>>
        tpu.enqueue_dma source(%dma_start3A_70 : memref<800xi32, #tpu.memory_space<hbm>>) target(%arg8 : memref<800xi32, #tpu.memory_space<vmem>>) target_semaphore(%run_scoped3A : memref<!tpu.dma_semaphore, #tpu.memory_space<semaphore_mem>>)
        %dma_wait3A_71 = tpu.memref_slice %arg3[%add3A_51] : memref<3200000xi32, #tpu.memory_space<hbm>> -> memref<800xi32, #tpu.memory_space<hbm>>
        %dma_wait3A_72 = tpu.memref_slice %arg3[%add3A_51] : memref<3200000xi32, #tpu.memory_space<hbm>> -> memref<800xi32, #tpu.memory_space<hbm>>
        tpu.wait_dma2 semaphore(%run_scoped3A : memref<!tpu.dma_semaphore, #tpu.memory_space<semaphore_mem>>) src(%dma_wait3A_72 : memref<800xi32, #tpu.memory_space<hbm>>) dst(%arg8 : memref<800xi32, #tpu.memory_space<vmem>>)
        tpu.yield
      }) : () -> ()
      "tpu.region"() ({
        %run_scoped3A = tpu.sem_alloc : memref<!tpu.dma_semaphore, #tpu.memory_space<semaphore_mem>>
        %dma_start3A_69 = arith.constant 0 : i32
        %dma_start3A_70 = arith.constant 0 : i32
        %dma_start3A_71 = tpu.memref_slice %arg4[%dma_start3A_69, %dma_start3A_70] : memref<100352x16xf32, #tpu.memory_space<hbm>> -> memref<100352x16xf32, #tpu.memory_space<hbm>>
        tpu.enqueue_indirect_dma source(%dma_start3A_71 : memref<100352x16xf32, #tpu.memory_space<hbm>>) target(%arg10 : memref<800x16xf32, #tpu.memory_space<vmem>>) offsets(%arg6 : memref<800xi32, #tpu.memory_space<vmem>>) semaphore(%run_scoped3A : memref<!tpu.dma_semaphore, #tpu.memory_space<semaphore_mem>>)
        %dma_wait3A_72 = arith.constant 0 : i32
        %dma_wait3A_73 = arith.constant 0 : i32
        %dma_wait3A_74 = tpu.memref_slice %arg4[%dma_wait3A_72, %dma_wait3A_73] : memref<100352x16xf32, #tpu.memory_space<hbm>> -> memref<100352x16xf32, #tpu.memory_space<hbm>>
        tpu.wait_indirect_dma semaphore(%run_scoped3A : memref<!tpu.dma_semaphore, #tpu.memory_space<semaphore_mem>>) src(%dma_wait3A_74 : memref<100352x16xf32, #tpu.memory_space<hbm>>) dst(%arg10 : memref<800x16xf32, #tpu.memory_space<vmem>>)
        tpu.yield
      }) : () -> ()
      %dma_start3A = arith.constant 0 : i32
      %dma_start3A_52 = arith.constant 0 : i32
      %dma_start3A_53 = tpu.memref_slice %arg12[%dma_start3A, %dma_start3A_52] : memref<100352x16xf32, #tpu.memory_space<vmem_shared>> -> memref<100352x16xf32, #tpu.memory_space<vmem_shared>>
      tpu.enqueue_indirect_dma source(%arg10 : memref<800x16xf32, #tpu.memory_space<vmem>>) target(%dma_start3A_53 : memref<100352x16xf32, #tpu.memory_space<vmem_shared>>) offsets(%arg8 : memref<800xi32, #tpu.memory_space<vmem>>) semaphore(%arg13 : memref<!tpu.dma_semaphore, #tpu.memory_space<semaphore_mem>>) {add = true}
      %mul3A_54 = arith.constant 2 : i32
      %mul3A_55 = arith.muli %scan3A_40, %mul3A_54 : i32
      %add3A_56 = arith.constant 1 : i32
      %add3A_57 = arith.addi %mul3A_55, %add3A_56 : i32
      %gt3A_58 = arith.constant 0 : i32
      %gt3A_59 = arith.cmpi sgt, %scan3A_40, %gt3A_58 : i32
      %convert_element_type3A_60 = arith.extui %gt3A_59 : i1 to i32
      %cond3A_61 = arith.constant 0 : i32
      %cond3A_62 = arith.cmpi ne, %convert_element_type3A_60, %cond3A_61 : i32
      scf.if %cond3A_62 {
        %dma_wait3A_69 = arith.constant 0 : i32
        %dma_wait3A_70 = arith.constant 0 : i32
        %dma_wait3A_71 = tpu.memref_slice %arg12[%dma_wait3A_69, %dma_wait3A_70] : memref<100352x16xf32, #tpu.memory_space<vmem_shared>> -> memref<100352x16xf32, #tpu.memory_space<vmem_shared>>
        tpu.wait_indirect_dma semaphore(%arg14 : memref<!tpu.dma_semaphore, #tpu.memory_space<semaphore_mem>>) src(%arg11 : memref<800x16xf32, #tpu.memory_space<vmem>>) dst(%dma_wait3A_71 : memref<100352x16xf32, #tpu.memory_space<vmem_shared>>)
      } else {
      }
      %mul3A_63 = arith.constant 800 : i32
      %mul3A_64 = arith.muli %add3A_57, %mul3A_63 : i32
      %add3A_65 = arith.addi %mul3A_25, %mul3A_64 : i32
      "tpu.region"() ({
        %run_scoped3A = tpu.sem_alloc : memref<!tpu.dma_semaphore, #tpu.memory_space<semaphore_mem>>
        %dma_start3A_69 = tpu.memref_slice %arg2[%add3A_65] : memref<3200000xi32, #tpu.memory_space<hbm>> -> memref<800xi32, #tpu.memory_space<hbm>>
        %dma_start3A_70 = tpu.memref_slice %arg2[%add3A_65] : memref<3200000xi32, #tpu.memory_space<hbm>> -> memref<800xi32, #tpu.memory_space<hbm>>
        tpu.enqueue_dma source(%dma_start3A_70 : memref<800xi32, #tpu.memory_space<hbm>>) target(%arg7 : memref<800xi32, #tpu.memory_space<vmem>>) target_semaphore(%run_scoped3A : memref<!tpu.dma_semaphore, #tpu.memory_space<semaphore_mem>>)
        %dma_wait3A_71 = tpu.memref_slice %arg2[%add3A_65] : memref<3200000xi32, #tpu.memory_space<hbm>> -> memref<800xi32, #tpu.memory_space<hbm>>
        %dma_wait3A_72 = tpu.memref_slice %arg2[%add3A_65] : memref<3200000xi32, #tpu.memory_space<hbm>> -> memref<800xi32, #tpu.memory_space<hbm>>
        tpu.wait_dma2 semaphore(%run_scoped3A : memref<!tpu.dma_semaphore, #tpu.memory_space<semaphore_mem>>) src(%dma_wait3A_72 : memref<800xi32, #tpu.memory_space<hbm>>) dst(%arg7 : memref<800xi32, #tpu.memory_space<vmem>>)
        tpu.yield
      }) : () -> ()
      "tpu.region"() ({
        %run_scoped3A = tpu.sem_alloc : memref<!tpu.dma_semaphore, #tpu.memory_space<semaphore_mem>>
        %dma_start3A_69 = tpu.memref_slice %arg3[%add3A_65] : memref<3200000xi32, #tpu.memory_space<hbm>> -> memref<800xi32, #tpu.memory_space<hbm>>
        %dma_start3A_70 = tpu.memref_slice %arg3[%add3A_65] : memref<3200000xi32, #tpu.memory_space<hbm>> -> memref<800xi32, #tpu.memory_space<hbm>>
        tpu.enqueue_dma source(%dma_start3A_70 : memref<800xi32, #tpu.memory_space<hbm>>) target(%arg9 : memref<800xi32, #tpu.memory_space<vmem>>) target_semaphore(%run_scoped3A : memref<!tpu.dma_semaphore, #tpu.memory_space<semaphore_mem>>)
        %dma_wait3A_71 = tpu.memref_slice %arg3[%add3A_65] : memref<3200000xi32, #tpu.memory_space<hbm>> -> memref<800xi32, #tpu.memory_space<hbm>>
        %dma_wait3A_72 = tpu.memref_slice %arg3[%add3A_65] : memref<3200000xi32, #tpu.memory_space<hbm>> -> memref<800xi32, #tpu.memory_space<hbm>>
        tpu.wait_dma2 semaphore(%run_scoped3A : memref<!tpu.dma_semaphore, #tpu.memory_space<semaphore_mem>>) src(%dma_wait3A_72 : memref<800xi32, #tpu.memory_space<hbm>>) dst(%arg9 : memref<800xi32, #tpu.memory_space<vmem>>)
        tpu.yield
      }) : () -> ()
      "tpu.region"() ({
        %run_scoped3A = tpu.sem_alloc : memref<!tpu.dma_semaphore, #tpu.memory_space<semaphore_mem>>
        %dma_start3A_69 = arith.constant 0 : i32
        %dma_start3A_70 = arith.constant 0 : i32
        %dma_start3A_71 = tpu.memref_slice %arg4[%dma_start3A_69, %dma_start3A_70] : memref<100352x16xf32, #tpu.memory_space<hbm>> -> memref<100352x16xf32, #tpu.memory_space<hbm>>
        tpu.enqueue_indirect_dma source(%dma_start3A_71 : memref<100352x16xf32, #tpu.memory_space<hbm>>) target(%arg11 : memref<800x16xf32, #tpu.memory_space<vmem>>) offsets(%arg7 : memref<800xi32, #tpu.memory_space<vmem>>) semaphore(%run_scoped3A : memref<!tpu.dma_semaphore, #tpu.memory_space<semaphore_mem>>)
        %dma_wait3A_72 = arith.constant 0 : i32
        %dma_wait3A_73 = arith.constant 0 : i32
        %dma_wait3A_74 = tpu.memref_slice %arg4[%dma_wait3A_72, %dma_wait3A_73] : memref<100352x16xf32, #tpu.memory_space<hbm>> -> memref<100352x16xf32, #tpu.memory_space<hbm>>
        tpu.wait_indirect_dma semaphore(%run_scoped3A : memref<!tpu.dma_semaphore, #tpu.memory_space<semaphore_mem>>) src(%dma_wait3A_74 : memref<100352x16xf32, #tpu.memory_space<hbm>>) dst(%arg11 : memref<800x16xf32, #tpu.memory_space<vmem>>)
        tpu.yield
      }) : () -> ()
      %dma_start3A_66 = arith.constant 0 : i32
      %dma_start3A_67 = arith.constant 0 : i32
      %dma_start3A_68 = tpu.memref_slice %arg12[%dma_start3A_66, %dma_start3A_67] : memref<100352x16xf32, #tpu.memory_space<vmem_shared>> -> memref<100352x16xf32, #tpu.memory_space<vmem_shared>>
      tpu.enqueue_indirect_dma source(%arg11 : memref<800x16xf32, #tpu.memory_space<vmem>>) target(%dma_start3A_68 : memref<100352x16xf32, #tpu.memory_space<vmem_shared>>) offsets(%arg9 : memref<800xi32, #tpu.memory_space<vmem>>) semaphore(%arg14 : memref<!tpu.dma_semaphore, #tpu.memory_space<semaphore_mem>>) {add = true}
    }
    %scan3A_31 = arith.constant 62 : i32
    %dma_wait3A = arith.constant 0 : i32
    %dma_wait3A_32 = arith.constant 0 : i32
    %dma_wait3A_33 = tpu.memref_slice %arg12[%dma_wait3A, %dma_wait3A_32] : memref<100352x16xf32, #tpu.memory_space<vmem_shared>> -> memref<100352x16xf32, #tpu.memory_space<vmem_shared>>
    tpu.wait_indirect_dma semaphore(%arg13 : memref<!tpu.dma_semaphore, #tpu.memory_space<semaphore_mem>>) src(%arg10 : memref<800x16xf32, #tpu.memory_space<vmem>>) dst(%dma_wait3A_33 : memref<100352x16xf32, #tpu.memory_space<vmem_shared>>)
    %dma_wait3A_34 = arith.constant 0 : i32
    %dma_wait3A_35 = arith.constant 0 : i32
    %dma_wait3A_36 = tpu.memref_slice %arg12[%dma_wait3A_34, %dma_wait3A_35] : memref<100352x16xf32, #tpu.memory_space<vmem_shared>> -> memref<100352x16xf32, #tpu.memory_space<vmem_shared>>
    tpu.wait_indirect_dma semaphore(%arg14 : memref<!tpu.dma_semaphore, #tpu.memory_space<semaphore_mem>>) src(%arg11 : memref<800x16xf32, #tpu.memory_space<vmem>>) dst(%dma_wait3A_36 : memref<100352x16xf32, #tpu.memory_space<vmem_shared>>)
    %barrier3A_37 = arith.constant 0 : index
    tpu.barrier barrier_id(%barrier3A_37)
    %eq3A = arith.constant 0 : i32
    %eq3A_38 = arith.cmpi eq, %arg1, %eq3A : i32
    %convert_element_type3A = arith.extui %eq3A_38 : i1 to i32
    %cond3A = arith.constant 0 : i32
    %cond3A_39 = arith.cmpi ne, %convert_element_type3A, %cond3A : i32
    scf.if %cond3A_39 {
      "tpu.region"() ({
        %run_scoped3A = tpu.sem_alloc : memref<!tpu.dma_semaphore, #tpu.memory_space<semaphore_mem>>
        %dma_start3A = arith.constant 0 : i32
        %dma_start3A_40 = arith.constant 0 : i32
        %dma_start3A_41 = tpu.memref_slice %arg5[%arg0, %dma_start3A, %dma_start3A_40] : memref<2x100352x16xf32, #tpu.memory_space<hbm>> -> memref<1x100352x16xf32, #tpu.memory_space<hbm>>
        %dma_start3A_42 = tpu.memref_squeeze %dma_start3A_41 : memref<1x100352x16xf32, #tpu.memory_space<hbm>> -> memref<100352x16xf32, #tpu.memory_space<hbm>>
        tpu.enqueue_dma source(%arg12 : memref<100352x16xf32, #tpu.memory_space<vmem_shared>>) target(%dma_start3A_42 : memref<100352x16xf32, #tpu.memory_space<hbm>>) target_semaphore(%run_scoped3A : memref<!tpu.dma_semaphore, #tpu.memory_space<semaphore_mem>>)
        %dma_wait3A_43 = arith.constant 0 : i32
        %dma_wait3A_44 = arith.constant 0 : i32
        %dma_wait3A_45 = tpu.memref_slice %arg5[%arg0, %dma_wait3A_43, %dma_wait3A_44] : memref<2x100352x16xf32, #tpu.memory_space<hbm>> -> memref<1x100352x16xf32, #tpu.memory_space<hbm>>
        %dma_wait3A_46 = tpu.memref_squeeze %dma_wait3A_45 : memref<1x100352x16xf32, #tpu.memory_space<hbm>> -> memref<100352x16xf32, #tpu.memory_space<hbm>>
        tpu.wait_dma2 semaphore(%run_scoped3A : memref<!tpu.dma_semaphore, #tpu.memory_space<semaphore_mem>>) src(%arg12 : memref<100352x16xf32, #tpu.memory_space<vmem_shared>>) dst(%dma_wait3A_46 : memref<100352x16xf32, #tpu.memory_space<hbm>>)
        tpu.yield
      }) : () -> ()
    } else {
    }
    return
  }
}

#map = affine_map<(d0, d1) -> (0)>
#map1 = affine_map<(d0, d1) -> (0, 0)>
module attributes {stable_mosaic.version = 14 : i64} {
  func.func @_sc_agg1(%arg0: i32, %arg1: i32, %arg2: memref<3200000xi32, #tpu.memory_space<hbm>>, %arg3: memref<3200000xi32, #tpu.memory_space<hbm>>, %arg4: memref<100352xf32, #tpu.memory_space<hbm>>, %arg5: memref<100352xf32, #tpu.memory_space<hbm>>, %arg6: memref<2x100352xf32, #tpu.memory_space<hbm>>, %arg7: memref<10000xi32, #tpu.memory_space<vmem>>, %arg8: memref<10000xi32, #tpu.memory_space<vmem>>, %arg9: memref<10000xi32, #tpu.memory_space<vmem>>, %arg10: memref<10000xf32, #tpu.memory_space<vmem>>, %arg11: memref<10000xf32, #tpu.memory_space<vmem>>, %arg12: memref<100352xf32, #tpu.memory_space<vmem_shared>>, %arg13: memref<100352xf32, #tpu.memory_space<vmem_shared>>, %arg14: memref<!tpu.dma_semaphore, #tpu.memory_space<semaphore_mem>>, %arg15: memref<!tpu.dma_semaphore, #tpu.memory_space<semaphore_mem>>) attributes {dimension_semantics = [#tpu.dimension_semantics<core_parallel>, #tpu.dimension_semantics<subcore_parallel>], iteration_bounds = array<i64: 2, 16>, scalar_prefetch = 0 : i64, scratch_operands = 9 : i64, tpu.core_type = #tpu.core_type<sc_vector_subcore>, window_params = [{transform_indices = #map}, {transform_indices = #map}, {transform_indices = #map}, {transform_indices = #map}, {transform_indices = #map1}]} {
    %eq3A = arith.constant 0 : i32
    %eq3A_0 = arith.cmpi eq, %arg1, %eq3A : i32
    %convert_element_type3A = arith.extui %eq3A_0 : i1 to i32
    %cond3A = arith.constant 0 : i32
    %cond3A_1 = arith.cmpi ne, %convert_element_type3A, %cond3A : i32
    scf.if %cond3A_1 {
      "tpu.region"() ({
        %run_scoped3A = tpu.sem_alloc : memref<!tpu.dma_semaphore, #tpu.memory_space<semaphore_mem>>
        tpu.enqueue_dma source(%arg5 : memref<100352xf32, #tpu.memory_space<hbm>>) target(%arg13 : memref<100352xf32, #tpu.memory_space<vmem_shared>>) target_semaphore(%run_scoped3A : memref<!tpu.dma_semaphore, #tpu.memory_space<semaphore_mem>>)
        tpu.wait_dma2 semaphore(%run_scoped3A : memref<!tpu.dma_semaphore, #tpu.memory_space<semaphore_mem>>) src(%arg5 : memref<100352xf32, #tpu.memory_space<hbm>>) dst(%arg13 : memref<100352xf32, #tpu.memory_space<vmem_shared>>)
        tpu.yield
      }) : () -> ()
    } else {
    }
    %eq3A_2 = arith.constant 1 : i32
    %eq3A_3 = arith.cmpi eq, %arg1, %eq3A_2 : i32
    %convert_element_type3A_4 = arith.extui %eq3A_3 : i1 to i32
    %cond3A_5 = arith.constant 0 : i32
    %cond3A_6 = arith.cmpi ne, %convert_element_type3A_4, %cond3A_5 : i32
    scf.if %cond3A_6 {
      "tpu.region"() ({
        %run_scoped3A = tpu.sem_alloc : memref<!tpu.dma_semaphore, #tpu.memory_space<semaphore_mem>>
        tpu.enqueue_dma source(%arg4 : memref<100352xf32, #tpu.memory_space<hbm>>) target(%arg12 : memref<100352xf32, #tpu.memory_space<vmem_shared>>) target_semaphore(%run_scoped3A : memref<!tpu.dma_semaphore, #tpu.memory_space<semaphore_mem>>)
        tpu.wait_dma2 semaphore(%run_scoped3A : memref<!tpu.dma_semaphore, #tpu.memory_space<semaphore_mem>>) src(%arg4 : memref<100352xf32, #tpu.memory_space<hbm>>) dst(%arg12 : memref<100352xf32, #tpu.memory_space<vmem_shared>>)
        tpu.yield
      }) : () -> ()
    } else {
    }
    %barrier3A = arith.constant 0 : index
    tpu.barrier barrier_id(%barrier3A)
    %mul3A = arith.constant 16 : i32
    %mul3A_7 = arith.muli %arg0, %mul3A : i32
    %add3A = arith.addi %mul3A_7, %arg1 : i32
    %mul3A_8 = arith.constant 100000 : i32
    %mul3A_9 = arith.muli %add3A, %mul3A_8 : i32
    %scan3A = arith.constant 0 : i32
    %scan3A_10 = arith.constant 0 : i32
    %scan3A_11 = arith.constant 5 : i32
    %scan3A_12 = arith.addi %scan3A_10, %scan3A_11 : i32
    %scan3A_13 = arith.constant 1 : i32
    scf.for %scan3A_24 = %scan3A_10 to %scan3A_12 step %scan3A_13  : i32 {
      %mul3A_25 = arith.constant 2 : i32
      %mul3A_26 = arith.muli %scan3A_24, %mul3A_25 : i32
      %add3A_27 = arith.constant 0 : i32
      %add3A_28 = arith.addi %mul3A_26, %add3A_27 : i32
      %gt3A = arith.constant 0 : i32
      %gt3A_29 = arith.cmpi sgt, %scan3A_24, %gt3A : i32
      %convert_element_type3A_30 = arith.extui %gt3A_29 : i1 to i32
      %cond3A_31 = arith.constant 0 : i32
      %cond3A_32 = arith.cmpi ne, %convert_element_type3A_30, %cond3A_31 : i32
      scf.if %cond3A_32 {
        %dma_wait3A_51 = arith.constant 0 : i32
        %dma_wait3A_52 = tpu.memref_slice %arg13[%dma_wait3A_51] : memref<100352xf32, #tpu.memory_space<vmem_shared>> -> memref<100352xf32, #tpu.memory_space<vmem_shared>>
        tpu.wait_indirect_dma semaphore(%arg14 : memref<!tpu.dma_semaphore, #tpu.memory_space<semaphore_mem>>) src(%arg10 : memref<10000xf32, #tpu.memory_space<vmem>>) dst(%dma_wait3A_52 : memref<100352xf32, #tpu.memory_space<vmem_shared>>)
      } else {
      }
      %mul3A_33 = arith.constant 10000 : i32
      %mul3A_34 = arith.muli %add3A_28, %mul3A_33 : i32
      %add3A_35 = arith.addi %mul3A_9, %mul3A_34 : i32
      "tpu.region"() ({
        %run_scoped3A = tpu.sem_alloc : memref<!tpu.dma_semaphore, #tpu.memory_space<semaphore_mem>>
        %dma_start3A_51 = tpu.memref_slice %arg2[%add3A_35] : memref<3200000xi32, #tpu.memory_space<hbm>> -> memref<10000xi32, #tpu.memory_space<hbm>>
        %dma_start3A_52 = tpu.memref_slice %arg2[%add3A_35] : memref<3200000xi32, #tpu.memory_space<hbm>> -> memref<10000xi32, #tpu.memory_space<hbm>>
        tpu.enqueue_dma source(%dma_start3A_52 : memref<10000xi32, #tpu.memory_space<hbm>>) target(%arg7 : memref<10000xi32, #tpu.memory_space<vmem>>) target_semaphore(%run_scoped3A : memref<!tpu.dma_semaphore, #tpu.memory_space<semaphore_mem>>)
        %dma_wait3A_53 = tpu.memref_slice %arg2[%add3A_35] : memref<3200000xi32, #tpu.memory_space<hbm>> -> memref<10000xi32, #tpu.memory_space<hbm>>
        %dma_wait3A_54 = tpu.memref_slice %arg2[%add3A_35] : memref<3200000xi32, #tpu.memory_space<hbm>> -> memref<10000xi32, #tpu.memory_space<hbm>>
        tpu.wait_dma2 semaphore(%run_scoped3A : memref<!tpu.dma_semaphore, #tpu.memory_space<semaphore_mem>>) src(%dma_wait3A_54 : memref<10000xi32, #tpu.memory_space<hbm>>) dst(%arg7 : memref<10000xi32, #tpu.memory_space<vmem>>)
        tpu.yield
      }) : () -> ()
      "tpu.region"() ({
        %run_scoped3A = tpu.sem_alloc : memref<!tpu.dma_semaphore, #tpu.memory_space<semaphore_mem>>
        %dma_start3A_51 = tpu.memref_slice %arg3[%add3A_35] : memref<3200000xi32, #tpu.memory_space<hbm>> -> memref<10000xi32, #tpu.memory_space<hbm>>
        %dma_start3A_52 = tpu.memref_slice %arg3[%add3A_35] : memref<3200000xi32, #tpu.memory_space<hbm>> -> memref<10000xi32, #tpu.memory_space<hbm>>
        tpu.enqueue_dma source(%dma_start3A_52 : memref<10000xi32, #tpu.memory_space<hbm>>) target(%arg8 : memref<10000xi32, #tpu.memory_space<vmem>>) target_semaphore(%run_scoped3A : memref<!tpu.dma_semaphore, #tpu.memory_space<semaphore_mem>>)
        %dma_wait3A_53 = tpu.memref_slice %arg3[%add3A_35] : memref<3200000xi32, #tpu.memory_space<hbm>> -> memref<10000xi32, #tpu.memory_space<hbm>>
        %dma_wait3A_54 = tpu.memref_slice %arg3[%add3A_35] : memref<3200000xi32, #tpu.memory_space<hbm>> -> memref<10000xi32, #tpu.memory_space<hbm>>
        tpu.wait_dma2 semaphore(%run_scoped3A : memref<!tpu.dma_semaphore, #tpu.memory_space<semaphore_mem>>) src(%dma_wait3A_54 : memref<10000xi32, #tpu.memory_space<hbm>>) dst(%arg8 : memref<10000xi32, #tpu.memory_space<vmem>>)
        tpu.yield
      }) : () -> ()
      "tpu.region"() ({
        %run_scoped3A = tpu.sem_alloc : memref<!tpu.dma_semaphore, #tpu.memory_space<semaphore_mem>>
        %dma_start3A_51 = arith.constant 0 : i32
        %dma_start3A_52 = tpu.memref_slice %arg12[%dma_start3A_51] : memref<100352xf32, #tpu.memory_space<vmem_shared>> -> memref<100352xf32, #tpu.memory_space<vmem_shared>>
        tpu.enqueue_indirect_dma source(%dma_start3A_52 : memref<100352xf32, #tpu.memory_space<vmem_shared>>) target(%arg10 : memref<10000xf32, #tpu.memory_space<vmem>>) offsets(%arg7 : memref<10000xi32, #tpu.memory_space<vmem>>) semaphore(%run_scoped3A : memref<!tpu.dma_semaphore, #tpu.memory_space<semaphore_mem>>)
        %dma_wait3A_53 = arith.constant 0 : i32
        %dma_wait3A_54 = tpu.memref_slice %arg12[%dma_wait3A_53] : memref<100352xf32, #tpu.memory_space<vmem_shared>> -> memref<100352xf32, #tpu.memory_space<vmem_shared>>
        tpu.wait_indirect_dma semaphore(%run_scoped3A : memref<!tpu.dma_semaphore, #tpu.memory_space<semaphore_mem>>) src(%dma_wait3A_54 : memref<100352xf32, #tpu.memory_space<vmem_shared>>) dst(%arg10 : memref<10000xf32, #tpu.memory_space<vmem>>)
        tpu.yield
      }) : () -> ()
      %dma_start3A = arith.constant 0 : i32
      %dma_start3A_36 = tpu.memref_slice %arg13[%dma_start3A] : memref<100352xf32, #tpu.memory_space<vmem_shared>> -> memref<100352xf32, #tpu.memory_space<vmem_shared>>
      tpu.enqueue_indirect_dma source(%arg10 : memref<10000xf32, #tpu.memory_space<vmem>>) target(%dma_start3A_36 : memref<100352xf32, #tpu.memory_space<vmem_shared>>) offsets(%arg8 : memref<10000xi32, #tpu.memory_space<vmem>>) semaphore(%arg14 : memref<!tpu.dma_semaphore, #tpu.memory_space<semaphore_mem>>) {add = true}
      %mul3A_37 = arith.constant 2 : i32
      %mul3A_38 = arith.muli %scan3A_24, %mul3A_37 : i32
      %add3A_39 = arith.constant 1 : i32
      %add3A_40 = arith.addi %mul3A_38, %add3A_39 : i32
      %gt3A_41 = arith.constant 0 : i32
      %gt3A_42 = arith.cmpi sgt, %scan3A_24, %gt3A_41 : i32
      %convert_element_type3A_43 = arith.extui %gt3A_42 : i1 to i32
      %cond3A_44 = arith.constant 0 : i32
      %cond3A_45 = arith.cmpi ne, %convert_element_type3A_43, %cond3A_44 : i32
      scf.if %cond3A_45 {
        %dma_wait3A_51 = arith.constant 0 : i32
        %dma_wait3A_52 = tpu.memref_slice %arg13[%dma_wait3A_51] : memref<100352xf32, #tpu.memory_space<vmem_shared>> -> memref<100352xf32, #tpu.memory_space<vmem_shared>>
        tpu.wait_indirect_dma semaphore(%arg15 : memref<!tpu.dma_semaphore, #tpu.memory_space<semaphore_mem>>) src(%arg11 : memref<10000xf32, #tpu.memory_space<vmem>>) dst(%dma_wait3A_52 : memref<100352xf32, #tpu.memory_space<vmem_shared>>)
      } else {
      }
      %mul3A_46 = arith.constant 10000 : i32
      %mul3A_47 = arith.muli %add3A_40, %mul3A_46 : i32
      %add3A_48 = arith.addi %mul3A_9, %mul3A_47 : i32
      "tpu.region"() ({
        %run_scoped3A = tpu.sem_alloc : memref<!tpu.dma_semaphore, #tpu.memory_space<semaphore_mem>>
        %dma_start3A_51 = tpu.memref_slice %arg2[%add3A_48] : memref<3200000xi32, #tpu.memory_space<hbm>> -> memref<10000xi32, #tpu.memory_space<hbm>>
        %dma_start3A_52 = tpu.memref_slice %arg2[%add3A_48] : memref<3200000xi32, #tpu.memory_space<hbm>> -> memref<10000xi32, #tpu.memory_space<hbm>>
        tpu.enqueue_dma source(%dma_start3A_52 : memref<10000xi32, #tpu.memory_space<hbm>>) target(%arg7 : memref<10000xi32, #tpu.memory_space<vmem>>) target_semaphore(%run_scoped3A : memref<!tpu.dma_semaphore, #tpu.memory_space<semaphore_mem>>)
        %dma_wait3A_53 = tpu.memref_slice %arg2[%add3A_48] : memref<3200000xi32, #tpu.memory_space<hbm>> -> memref<10000xi32, #tpu.memory_space<hbm>>
        %dma_wait3A_54 = tpu.memref_slice %arg2[%add3A_48] : memref<3200000xi32, #tpu.memory_space<hbm>> -> memref<10000xi32, #tpu.memory_space<hbm>>
        tpu.wait_dma2 semaphore(%run_scoped3A : memref<!tpu.dma_semaphore, #tpu.memory_space<semaphore_mem>>) src(%dma_wait3A_54 : memref<10000xi32, #tpu.memory_space<hbm>>) dst(%arg7 : memref<10000xi32, #tpu.memory_space<vmem>>)
        tpu.yield
      }) : () -> ()
      "tpu.region"() ({
        %run_scoped3A = tpu.sem_alloc : memref<!tpu.dma_semaphore, #tpu.memory_space<semaphore_mem>>
        %dma_start3A_51 = tpu.memref_slice %arg3[%add3A_48] : memref<3200000xi32, #tpu.memory_space<hbm>> -> memref<10000xi32, #tpu.memory_space<hbm>>
        %dma_start3A_52 = tpu.memref_slice %arg3[%add3A_48] : memref<3200000xi32, #tpu.memory_space<hbm>> -> memref<10000xi32, #tpu.memory_space<hbm>>
        tpu.enqueue_dma source(%dma_start3A_52 : memref<10000xi32, #tpu.memory_space<hbm>>) target(%arg9 : memref<10000xi32, #tpu.memory_space<vmem>>) target_semaphore(%run_scoped3A : memref<!tpu.dma_semaphore, #tpu.memory_space<semaphore_mem>>)
        %dma_wait3A_53 = tpu.memref_slice %arg3[%add3A_48] : memref<3200000xi32, #tpu.memory_space<hbm>> -> memref<10000xi32, #tpu.memory_space<hbm>>
        %dma_wait3A_54 = tpu.memref_slice %arg3[%add3A_48] : memref<3200000xi32, #tpu.memory_space<hbm>> -> memref<10000xi32, #tpu.memory_space<hbm>>
        tpu.wait_dma2 semaphore(%run_scoped3A : memref<!tpu.dma_semaphore, #tpu.memory_space<semaphore_mem>>) src(%dma_wait3A_54 : memref<10000xi32, #tpu.memory_space<hbm>>) dst(%arg9 : memref<10000xi32, #tpu.memory_space<vmem>>)
        tpu.yield
      }) : () -> ()
      "tpu.region"() ({
        %run_scoped3A = tpu.sem_alloc : memref<!tpu.dma_semaphore, #tpu.memory_space<semaphore_mem>>
        %dma_start3A_51 = arith.constant 0 : i32
        %dma_start3A_52 = tpu.memref_slice %arg12[%dma_start3A_51] : memref<100352xf32, #tpu.memory_space<vmem_shared>> -> memref<100352xf32, #tpu.memory_space<vmem_shared>>
        tpu.enqueue_indirect_dma source(%dma_start3A_52 : memref<100352xf32, #tpu.memory_space<vmem_shared>>) target(%arg11 : memref<10000xf32, #tpu.memory_space<vmem>>) offsets(%arg7 : memref<10000xi32, #tpu.memory_space<vmem>>) semaphore(%run_scoped3A : memref<!tpu.dma_semaphore, #tpu.memory_space<semaphore_mem>>)
        %dma_wait3A_53 = arith.constant 0 : i32
        %dma_wait3A_54 = tpu.memref_slice %arg12[%dma_wait3A_53] : memref<100352xf32, #tpu.memory_space<vmem_shared>> -> memref<100352xf32, #tpu.memory_space<vmem_shared>>
        tpu.wait_indirect_dma semaphore(%run_scoped3A : memref<!tpu.dma_semaphore, #tpu.memory_space<semaphore_mem>>) src(%dma_wait3A_54 : memref<100352xf32, #tpu.memory_space<vmem_shared>>) dst(%arg11 : memref<10000xf32, #tpu.memory_space<vmem>>)
        tpu.yield
      }) : () -> ()
      %dma_start3A_49 = arith.constant 0 : i32
      %dma_start3A_50 = tpu.memref_slice %arg13[%dma_start3A_49] : memref<100352xf32, #tpu.memory_space<vmem_shared>> -> memref<100352xf32, #tpu.memory_space<vmem_shared>>
      tpu.enqueue_indirect_dma source(%arg11 : memref<10000xf32, #tpu.memory_space<vmem>>) target(%dma_start3A_50 : memref<100352xf32, #tpu.memory_space<vmem_shared>>) offsets(%arg9 : memref<10000xi32, #tpu.memory_space<vmem>>) semaphore(%arg15 : memref<!tpu.dma_semaphore, #tpu.memory_space<semaphore_mem>>) {add = true}
    }
    %scan3A_14 = arith.constant 5 : i32
    %dma_wait3A = arith.constant 0 : i32
    %dma_wait3A_15 = tpu.memref_slice %arg13[%dma_wait3A] : memref<100352xf32, #tpu.memory_space<vmem_shared>> -> memref<100352xf32, #tpu.memory_space<vmem_shared>>
    tpu.wait_indirect_dma semaphore(%arg14 : memref<!tpu.dma_semaphore, #tpu.memory_space<semaphore_mem>>) src(%arg10 : memref<10000xf32, #tpu.memory_space<vmem>>) dst(%dma_wait3A_15 : memref<100352xf32, #tpu.memory_space<vmem_shared>>)
    %dma_wait3A_16 = arith.constant 0 : i32
    %dma_wait3A_17 = tpu.memref_slice %arg13[%dma_wait3A_16] : memref<100352xf32, #tpu.memory_space<vmem_shared>> -> memref<100352xf32, #tpu.memory_space<vmem_shared>>
    tpu.wait_indirect_dma semaphore(%arg15 : memref<!tpu.dma_semaphore, #tpu.memory_space<semaphore_mem>>) src(%arg11 : memref<10000xf32, #tpu.memory_space<vmem>>) dst(%dma_wait3A_17 : memref<100352xf32, #tpu.memory_space<vmem_shared>>)
    %barrier3A_18 = arith.constant 0 : index
    tpu.barrier barrier_id(%barrier3A_18)
    %eq3A_19 = arith.constant 0 : i32
    %eq3A_20 = arith.cmpi eq, %arg1, %eq3A_19 : i32
    %convert_element_type3A_21 = arith.extui %eq3A_20 : i1 to i32
    %cond3A_22 = arith.constant 0 : i32
    %cond3A_23 = arith.cmpi ne, %convert_element_type3A_21, %cond3A_22 : i32
    scf.if %cond3A_23 {
      "tpu.region"() ({
        %run_scoped3A = tpu.sem_alloc : memref<!tpu.dma_semaphore, #tpu.memory_space<semaphore_mem>>
        %dma_start3A = arith.constant 0 : i32
        %dma_start3A_24 = tpu.memref_slice %arg6[%arg0, %dma_start3A] : memref<2x100352xf32, #tpu.memory_space<hbm>> -> memref<1x100352xf32, #tpu.memory_space<hbm>>
        %dma_start3A_25 = tpu.memref_squeeze %dma_start3A_24 : memref<1x100352xf32, #tpu.memory_space<hbm>> -> memref<100352xf32, #tpu.memory_space<hbm>>
        tpu.enqueue_dma source(%arg13 : memref<100352xf32, #tpu.memory_space<vmem_shared>>) target(%dma_start3A_25 : memref<100352xf32, #tpu.memory_space<hbm>>) target_semaphore(%run_scoped3A : memref<!tpu.dma_semaphore, #tpu.memory_space<semaphore_mem>>)
        %dma_wait3A_26 = arith.constant 0 : i32
        %dma_wait3A_27 = tpu.memref_slice %arg6[%arg0, %dma_wait3A_26] : memref<2x100352xf32, #tpu.memory_space<hbm>> -> memref<1x100352xf32, #tpu.memory_space<hbm>>
        %dma_wait3A_28 = tpu.memref_squeeze %dma_wait3A_27 : memref<1x100352xf32, #tpu.memory_space<hbm>> -> memref<100352xf32, #tpu.memory_space<hbm>>
        tpu.wait_dma2 semaphore(%run_scoped3A : memref<!tpu.dma_semaphore, #tpu.memory_space<semaphore_mem>>) src(%arg13 : memref<100352xf32, #tpu.memory_space<vmem_shared>>) dst(%dma_wait3A_28 : memref<100352xf32, #tpu.memory_space<hbm>>)
        tpu.yield
      }) : () -> ()
    } else {
    }
    return
  }
}

module attributes {stable_mosaic.version = 14 : i64} {
  func.func @_tc_a_body(%arg0: i32, %arg1: memref<2x12544xf32, #tpu.memory_space<vmem>>, %arg2: memref<1x12544xf32, #tpu.memory_space<vmem>>, %arg3: memref<1x12544xf32, #tpu.memory_space<vmem>>, %arg4: memref<1x12544xf32, #tpu.memory_space<vmem>>) attributes {dimension_semantics = [#tpu.dimension_semantics<arbitrary>], iteration_bounds = array<i64: 8>, scalar_prefetch = 0 : i64, scratch_operands = 0 : i64, tpu.core_type = #tpu.core_type<tc>, window_params = [{transform_indices = @transform_0, window_bounds = array<i64: 2, 12544>}, {transform_indices = @transform_1, window_bounds = array<i64: 1, 12544>}, {transform_indices = @transform_2, window_bounds = array<i64: 1, 12544>}, {transform_indices = @transform_3, window_bounds = array<i64: 1, 12544>}]} {
    %get3A = arith.constant 0 : index
    %get3A_0 = arith.constant 0 : index
    %get3A_1 = vector.load %arg1[%get3A, %get3A_0] : memref<2x12544xf32, #tpu.memory_space<vmem>>, vector<1x12544xf32>
    %get3A_2 = arith.constant 1 : index
    %get3A_3 = arith.constant 0 : index
    %get3A_4 = vector.load %arg1[%get3A_2, %get3A_3] : memref<2x12544xf32, #tpu.memory_space<vmem>>, vector<1x12544xf32>
    %add3A = arith.addf %get3A_1, %get3A_4 : vector<1x12544xf32>
    %add3A_5 = arith.constant 1.000000e+00 : f32
    %add3A_6 = vector.broadcast %add3A_5 : f32 to vector<1x12544xf32>
    %add3A_7 = arith.addf %add3A, %add3A_6 : vector<1x12544xf32>
    %rsqrt3A = math.rsqrt %add3A_7 : vector<1x12544xf32>
    %swap3A = arith.constant 0 : index
    %swap3A_8 = arith.constant 0 : index
    %swap3A_9 = vector.load %arg3[%swap3A, %swap3A_8] : memref<1x12544xf32, #tpu.memory_space<vmem>>, vector<1x12544xf32>
    tpu.vector_store %arg3[%swap3A, %swap3A_8], %rsqrt3A {strides = array<i32>} : memref<1x12544xf32, #tpu.memory_space<vmem>>, vector<1x12544xf32>,
    %get3A_10 = arith.constant 0 : index
    %get3A_11 = arith.constant 0 : index
    %get3A_12 = vector.load %arg2[%get3A_10, %get3A_11] : memref<1x12544xf32, #tpu.memory_space<vmem>>, vector<1x12544xf32>
    %mul3A = arith.mulf %rsqrt3A, %get3A_12 : vector<1x12544xf32>
    %swap3A_13 = arith.constant 0 : index
    %swap3A_14 = arith.constant 0 : index
    %swap3A_15 = vector.load %arg4[%swap3A_13, %swap3A_14] : memref<1x12544xf32, #tpu.memory_space<vmem>>, vector<1x12544xf32>
    tpu.vector_store %arg4[%swap3A_13, %swap3A_14], %mul3A {strides = array<i32>} : memref<1x12544xf32, #tpu.memory_space<vmem>>, vector<1x12544xf32>,
    return
  }
  func.func @transform_0(%arg0: i32) -> (i32, i32) {
    %c0_i32 = arith.constant 0 : i32
    %c0_i32_0 = arith.constant 0 : i32
    return %c0_i32, %arg0 : i32, i32
  }
  func.func @transform_1(%arg0: i32) -> (i32, i32) {
    %c0_i32 = arith.constant 0 : i32
    %c0_i32_0 = arith.constant 0 : i32
    return %c0_i32, %arg0 : i32, i32
  }
  func.func @transform_2(%arg0: i32) -> (i32, i32) {
    %c0_i32 = arith.constant 0 : i32
    %c0_i32_0 = arith.constant 0 : i32
    return %c0_i32, %arg0 : i32, i32
  }
  func.func @transform_3(%arg0: i32) -> (i32, i32) {
    %c0_i32 = arith.constant 0 : i32
    %c0_i32_0 = arith.constant 0 : i32
    return %c0_i32, %arg0 : i32, i32
  }
}

module attributes {stable_mosaic.version = 14 : i64} {
  func.func @_tc_b_body(%arg0: i32, %arg1: memref<2x12544xf32, #tpu.memory_space<vmem>>, %arg2: memref<1x12544xf32, #tpu.memory_space<vmem>>, %arg3: memref<1x12544xf32, #tpu.memory_space<vmem>>, %arg4: memref<16x1xf32, #tpu.memory_space<vmem>>, %arg5: memref<16x1xf32, #tpu.memory_space<vmem>>, %arg6: memref<16x12544xf32, #tpu.memory_space<vmem>>) attributes {dimension_semantics = [#tpu.dimension_semantics<arbitrary>], iteration_bounds = array<i64: 8>, scalar_prefetch = 0 : i64, scratch_operands = 0 : i64, tpu.core_type = #tpu.core_type<tc>, window_params = [{transform_indices = @transform_0, window_bounds = array<i64: 2, 12544>}, {transform_indices = @transform_1, window_bounds = array<i64: 1, 12544>}, {transform_indices = @transform_2, window_bounds = array<i64: 1, 12544>}, {pipeline_mode = #tpu.pipeline_mode<synchronous>, transform_indices = @transform_3, window_bounds = array<i64: 16, 1>}, {pipeline_mode = #tpu.pipeline_mode<synchronous>, transform_indices = @transform_4, window_bounds = array<i64: 16, 1>}, {transform_indices = @transform_5, window_bounds = array<i64: 16, 12544>}]} {
    %get3A = arith.constant 0 : index
    %get3A_0 = arith.constant 0 : index
    %get3A_1 = vector.load %arg3[%get3A, %get3A_0] : memref<1x12544xf32, #tpu.memory_space<vmem>>, vector<1x12544xf32>
    %get3A_2 = arith.constant 0 : index
    %get3A_3 = arith.constant 0 : index
    %get3A_4 = vector.load %arg1[%get3A_2, %get3A_3] : memref<2x12544xf32, #tpu.memory_space<vmem>>, vector<1x12544xf32>
    %get3A_5 = arith.constant 1 : index
    %get3A_6 = arith.constant 0 : index
    %get3A_7 = vector.load %arg1[%get3A_5, %get3A_6] : memref<2x12544xf32, #tpu.memory_space<vmem>>, vector<1x12544xf32>
    %add3A = arith.addf %get3A_4, %get3A_7 : vector<1x12544xf32>
    %get3A_8 = arith.constant 0 : index
    %get3A_9 = arith.constant 0 : index
    %get3A_10 = vector.load %arg2[%get3A_8, %get3A_9] : memref<1x12544xf32, #tpu.memory_space<vmem>>, vector<1x12544xf32>
    %add3A_11 = arith.addf %add3A, %get3A_10 : vector<1x12544xf32>
    %mul3A = arith.mulf %get3A_1, %add3A_11 : vector<1x12544xf32>
    %get3A_12 = arith.constant 0 : index
    %get3A_13 = arith.constant 0 : index
    %get3A_14 = vector.load %arg4[%get3A_12, %get3A_13] : memref<16x1xf32, #tpu.memory_space<vmem>>, vector<16x1xf32>
    %mul3A_15 = vector.broadcast %get3A_14 : vector<16x1xf32> to vector<16x12544xf32>
    %mul3A_16 = vector.broadcast %mul3A : vector<1x12544xf32> to vector<16x12544xf32>
    %mul3A_17 = arith.mulf %mul3A_15, %mul3A_16 : vector<16x12544xf32>
    %get3A_18 = arith.constant 0 : index
    %get3A_19 = arith.constant 0 : index
    %get3A_20 = vector.load %arg5[%get3A_18, %get3A_19] : memref<16x1xf32, #tpu.memory_space<vmem>>, vector<16x1xf32>
    %add3A_21 = vector.broadcast %get3A_20 : vector<16x1xf32> to vector<16x12544xf32>
    %add3A_22 = arith.addf %mul3A_17, %add3A_21 : vector<16x12544xf32>
    %max3A = arith.constant 0.000000e+00 : f32
    %max3A_23 = vector.broadcast %max3A : f32 to vector<16x12544xf32>
    %max3A_24 = arith.maximumf %add3A_22, %max3A_23 : vector<16x12544xf32>
    %mul3A_25 = vector.broadcast %get3A_1 : vector<1x12544xf32> to vector<16x12544xf32>
    %mul3A_26 = arith.mulf %mul3A_25, %max3A_24 : vector<16x12544xf32>
    %swap3A = arith.constant 0 : index
    %swap3A_27 = arith.constant 0 : index
    %swap3A_28 = vector.load %arg6[%swap3A, %swap3A_27] : memref<16x12544xf32, #tpu.memory_space<vmem>>, vector<16x12544xf32>
    tpu.vector_store %arg6[%swap3A, %swap3A_27], %mul3A_26 {strides = array<i32>} : memref<16x12544xf32, #tpu.memory_space<vmem>>, vector<16x12544xf32>,
    return
  }
  func.func @transform_0(%arg0: i32) -> (i32, i32) {
    %c0_i32 = arith.constant 0 : i32
    %c0_i32_0 = arith.constant 0 : i32
    return %c0_i32, %arg0 : i32, i32
  }
  func.func @transform_1(%arg0: i32) -> (i32, i32) {
    %c0_i32 = arith.constant 0 : i32
    %c0_i32_0 = arith.constant 0 : i32
    return %c0_i32, %arg0 : i32, i32
  }
  func.func @transform_2(%arg0: i32) -> (i32, i32) {
    %c0_i32 = arith.constant 0 : i32
    %c0_i32_0 = arith.constant 0 : i32
    return %c0_i32, %arg0 : i32, i32
  }
  func.func @transform_3(%arg0: i32) -> (i32, i32) {
    %c0_i32 = arith.constant 0 : i32
    %c0_i32_0 = arith.constant 0 : i32
    %c0_i32_1 = arith.constant 0 : i32
    return %c0_i32, %c0_i32_0 : i32, i32
  }
  func.func @transform_4(%arg0: i32) -> (i32, i32) {
    %c0_i32 = arith.constant 0 : i32
    %c0_i32_0 = arith.constant 0 : i32
    %c0_i32_1 = arith.constant 0 : i32
    return %c0_i32, %c0_i32_0 : i32, i32
  }
  func.func @transform_5(%arg0: i32) -> (i32, i32) {
    %c0_i32 = arith.constant 0 : i32
    %c0_i32_0 = arith.constant 0 : i32
    return %c0_i32, %arg0 : i32, i32
  }
}

module attributes {stable_mosaic.version = 14 : i64} {
  func.func @_tc_c_body(%arg0: i32, %arg1: memref<2x1568x128xf32, #tpu.memory_space<vmem>>, %arg2: memref<1568x128xf32, #tpu.memory_space<vmem>>, %arg3: memref<1568x8xf32, #tpu.memory_space<vmem>>, %arg4: memref<8x128xf32, #tpu.memory_space<vmem>>, %arg5: memref<128x128xf32, #tpu.memory_space<vmem>>, %arg6: memref<1x128xf32, #tpu.memory_space<vmem>>, %arg7: memref<1x128xf32, #tpu.memory_space<vmem>>, %arg8: memref<128x128xf32, #tpu.memory_space<vmem>>, %arg9: memref<1568x128xf32, #tpu.memory_space<vmem>>) attributes {dimension_semantics = [#tpu.dimension_semantics<arbitrary>], iteration_bounds = array<i64: 8>, scalar_prefetch = 0 : i64, scratch_operands = 0 : i64, tpu.core_type = #tpu.core_type<tc>, window_params = [{transform_indices = @transform_0, window_bounds = array<i64: 2, 1568, 128>}, {transform_indices = @transform_1, window_bounds = array<i64: 1568, 128>}, {transform_indices = @transform_2, window_bounds = array<i64: 1568, 8>}, {pipeline_mode = #tpu.pipeline_mode<synchronous>, transform_indices = @transform_3, window_bounds = array<i64: 8, 128>}, {pipeline_mode = #tpu.pipeline_mode<synchronous>, transform_indices = @transform_4, window_bounds = array<i64: 128, 128>}, {pipeline_mode = #tpu.pipeline_mode<synchronous>, transform_indices = @transform_5, window_bounds = array<i64: 1, 128>}, {pipeline_mode = #tpu.pipeline_mode<synchronous>, transform_indices = @transform_6, window_bounds = array<i64: 1, 128>}, {pipeline_mode = #tpu.pipeline_mode<synchronous>, transform_indices = @transform_7, window_bounds = array<i64: 128, 128>}, {transform_indices = @transform_8, window_bounds = array<i64: 1568, 128>}]} {
    %get3A = arith.constant 0 : index
    %get3A_0 = arith.constant 0 : index
    %get3A_1 = vector.load %arg3[%get3A, %get3A_0] : memref<1568x8xf32, #tpu.memory_space<vmem>>, vector<1568x8xf32>
    %get3A_2 = arith.constant 0 : index
    %get3A_3 = arith.constant 0 : index
    %get3A_4 = vector.load %arg4[%get3A_2, %get3A_3] : memref<8x128xf32, #tpu.memory_space<vmem>>, vector<8x128xf32>
    %dot_general3A = arith.constant dense<0.000000e+00> : vector<1568x128xf32>
    %dot_general3A_5 = tpu.matmul %get3A_1, %get3A_4, %dot_general3A {dimension_numbers = #tpu.dot_dimension_numbers<[1], [0], [0], [1], [0, 0, 1, 1], [], []>, transpose_lhs_hint = false} : vector<1568x8xf32>, vector<8x128xf32>, vector<1568x128xf32> -> vector<1568x128xf32>
    %get3A_6 = arith.constant 0 : index
    %get3A_7 = arith.constant 0 : index
    %get3A_8 = arith.constant 0 : index
    %get3A_9 = vector.load %arg1[%get3A_6, %get3A_7, %get3A_8] : memref<2x1568x128xf32, #tpu.memory_space<vmem>>, vector<1x1568x128xf32>
    %get3A_10 = vector.shape_cast %get3A_9 : vector<1x1568x128xf32> to vector<1568x128xf32>
    %get3A_11 = arith.constant 1 : index
    %get3A_12 = arith.constant 0 : index
    %get3A_13 = arith.constant 0 : index
    %get3A_14 = vector.load %arg1[%get3A_11, %get3A_12, %get3A_13] : memref<2x1568x128xf32, #tpu.memory_space<vmem>>, vector<1x1568x128xf32>
    %get3A_15 = vector.shape_cast %get3A_14 : vector<1x1568x128xf32> to vector<1568x128xf32>
    %add3A = arith.addf %get3A_10, %get3A_15 : vector<1568x128xf32>
    %get3A_16 = arith.constant 0 : index
    %get3A_17 = arith.constant 0 : index
    %get3A_18 = vector.load %arg2[%get3A_16, %get3A_17] : memref<1568x128xf32, #tpu.memory_space<vmem>>, vector<1568x128xf32>
    %add3A_19 = arith.addf %add3A, %get3A_18 : vector<1568x128xf32>
    %mul3A = arith.mulf %dot_general3A_5, %add3A_19 : vector<1568x128xf32>
    %get3A_20 = arith.constant 0 : index
    %get3A_21 = arith.constant 0 : index
    %get3A_22 = vector.load %arg5[%get3A_20, %get3A_21] : memref<128x128xf32, #tpu.memory_space<vmem>>, vector<128x128xf32>
    %dot_general3A_23 = arith.constant dense<0.000000e+00> : vector<1568x128xf32>
    %dot_general3A_24 = tpu.matmul %mul3A, %get3A_22, %dot_general3A_23 {dimension_numbers = #tpu.dot_dimension_numbers<[1], [0], [0], [1], [0, 0, 1, 1], [], []>, transpose_lhs_hint = false} : vector<1568x128xf32>, vector<128x128xf32>, vector<1568x128xf32> -> vector<1568x128xf32>
    %get3A_25 = arith.constant 0 : index
    %get3A_26 = arith.constant 0 : index
    %get3A_27 = vector.load %arg6[%get3A_25, %get3A_26] : memref<1x128xf32, #tpu.memory_space<vmem>>, vector<1x128xf32>
    %add3A_28 = vector.broadcast %get3A_27 : vector<1x128xf32> to vector<1568x128xf32>
    %add3A_29 = arith.addf %dot_general3A_24, %add3A_28 : vector<1568x128xf32>
    %slice3A = vector.extract_strided_slice %add3A_29 {offsets = [0, 1], sizes = [1568, 127], strides = [1, 1]} : vector<1568x128xf32> to vector<1568x127xf32>
    %slice3A_30 = vector.extract_strided_slice %add3A_29 {offsets = [0, 0], sizes = [1568, 1], strides = [1, 1]} : vector<1568x128xf32> to vector<1568x1xf32>
    %concatenate3A = tpu.concatenate %slice3A, %slice3A_30 in 1 : vector<1568x127xf32>, vector<1568x1xf32> -> vector<1568x128xf32>
    %max3A = arith.maximumf %add3A_29, %concatenate3A : vector<1568x128xf32>
    %slice3A_31 = vector.extract_strided_slice %max3A {offsets = [0, 2], sizes = [1568, 126], strides = [1, 1]} : vector<1568x128xf32> to vector<1568x126xf32>
    %slice3A_32 = vector.extract_strided_slice %max3A {offsets = [0, 0], sizes = [1568, 2], strides = [1, 1]} : vector<1568x128xf32> to vector<1568x2xf32>
    %concatenate3A_33 = tpu.concatenate %slice3A_31, %slice3A_32 in 1 : vector<1568x126xf32>, vector<1568x2xf32> -> vector<1568x128xf32>
    %max3A_34 = arith.maximumf %max3A, %concatenate3A_33 : vector<1568x128xf32>
    %slice3A_35 = vector.extract_strided_slice %max3A_34 {offsets = [0, 4], sizes = [1568, 124], strides = [1, 1]} : vector<1568x128xf32> to vector<1568x124xf32>
    %slice3A_36 = vector.extract_strided_slice %max3A_34 {offsets = [0, 0], sizes = [1568, 4], strides = [1, 1]} : vector<1568x128xf32> to vector<1568x4xf32>
    %concatenate3A_37 = tpu.concatenate %slice3A_35, %slice3A_36 in 1 : vector<1568x124xf32>, vector<1568x4xf32> -> vector<1568x128xf32>
    %max3A_38 = arith.maximumf %max3A_34, %concatenate3A_37 : vector<1568x128xf32>
    %slice3A_39 = vector.extract_strided_slice %max3A_38 {offsets = [0, 8], sizes = [1568, 120], strides = [1, 1]} : vector<1568x128xf32> to vector<1568x120xf32>
    %slice3A_40 = vector.extract_strided_slice %max3A_38 {offsets = [0, 0], sizes = [1568, 8], strides = [1, 1]} : vector<1568x128xf32> to vector<1568x8xf32>
    %concatenate3A_41 = tpu.concatenate %slice3A_39, %slice3A_40 in 1 : vector<1568x120xf32>, vector<1568x8xf32> -> vector<1568x128xf32>
    %max3A_42 = arith.maximumf %max3A_38, %concatenate3A_41 : vector<1568x128xf32>
    %get3A_43 = arith.constant 0 : index
    %get3A_44 = arith.constant 0 : index
    %get3A_45 = vector.load %arg7[%get3A_43, %get3A_44] : memref<1x128xf32, #tpu.memory_space<vmem>>, vector<1x128xf32>
    %mul3A_46 = vector.broadcast %get3A_45 : vector<1x128xf32> to vector<1568x128xf32>
    %mul3A_47 = arith.mulf %max3A_42, %mul3A_46 : vector<1568x128xf32>
    %get3A_48 = arith.constant 0 : index
    %get3A_49 = arith.constant 0 : index
    %get3A_50 = vector.load %arg8[%get3A_48, %get3A_49] : memref<128x128xf32, #tpu.memory_space<vmem>>, vector<128x128xf32>
    %dot_general3A_51 = arith.constant dense<0.000000e+00> : vector<1568x128xf32>
    %dot_general3A_52 = tpu.matmul %mul3A_47, %get3A_50, %dot_general3A_51 {dimension_numbers = #tpu.dot_dimension_numbers<[1], [0], [0], [1], [0, 0, 1, 1], [], []>, transpose_lhs_hint = false} : vector<1568x128xf32>, vector<128x128xf32>, vector<1568x128xf32> -> vector<1568x128xf32>
    %sub3A = arith.subf %add3A_29, %dot_general3A_52 : vector<1568x128xf32>
    %exp3A = math.exp %sub3A : vector<1568x128xf32>
    %get3A_53 = arith.constant 0 : index
    %get3A_54 = arith.constant 0 : index
    %get3A_55 = vector.load %arg8[%get3A_53, %get3A_54] : memref<128x128xf32, #tpu.memory_space<vmem>>, vector<128x128xf32>
    %dot_general3A_56 = arith.constant dense<0.000000e+00> : vector<1568x128xf32>
    %dot_general3A_57 = tpu.matmul %exp3A, %get3A_55, %dot_general3A_56 {dimension_numbers = #tpu.dot_dimension_numbers<[1], [0], [0], [1], [0, 0, 1, 1], [], []>, transpose_lhs_hint = false} : vector<1568x128xf32>, vector<128x128xf32>, vector<1568x128xf32> -> vector<1568x128xf32>
    %log3A = math.log %dot_general3A_57 : vector<1568x128xf32>
    %sub3A_58 = arith.subf %add3A_29, %dot_general3A_52 : vector<1568x128xf32>
    %sub3A_59 = arith.subf %sub3A_58, %log3A : vector<1568x128xf32>
    %swap3A = arith.constant 0 : index
    %swap3A_60 = arith.constant 0 : index
    %swap3A_61 = vector.load %arg9[%swap3A, %swap3A_60] : memref<1568x128xf32, #tpu.memory_space<vmem>>, vector<1568x128xf32>
    tpu.vector_store %arg9[%swap3A, %swap3A_60], %sub3A_59 {strides = array<i32>} : memref<1568x128xf32, #tpu.memory_space<vmem>>, vector<1568x128xf32>,
    return
  }
  func.func @transform_0(%arg0: i32) -> (i32, i32, i32) {
    %c0_i32 = arith.constant 0 : i32
    %c0_i32_0 = arith.constant 0 : i32
    %c0_i32_1 = arith.constant 0 : i32
    return %c0_i32, %arg0, %c0_i32_0 : i32, i32, i32
  }
  func.func @transform_1(%arg0: i32) -> (i32, i32) {
    %c0_i32 = arith.constant 0 : i32
    %c0_i32_0 = arith.constant 0 : i32
    return %arg0, %c0_i32 : i32, i32
  }
  func.func @transform_2(%arg0: i32) -> (i32, i32) {
    %c0_i32 = arith.constant 0 : i32
    %c0_i32_0 = arith.constant 0 : i32
    return %arg0, %c0_i32 : i32, i32
  }
  func.func @transform_3(%arg0: i32) -> (i32, i32) {
    %c0_i32 = arith.constant 0 : i32
    %c0_i32_0 = arith.constant 0 : i32
    %c0_i32_1 = arith.constant 0 : i32
    return %c0_i32, %c0_i32_0 : i32, i32
  }
  func.func @transform_4(%arg0: i32) -> (i32, i32) {
    %c0_i32 = arith.constant 0 : i32
    %c0_i32_0 = arith.constant 0 : i32
    %c0_i32_1 = arith.constant 0 : i32
    return %c0_i32, %c0_i32_0 : i32, i32
  }
  func.func @transform_5(%arg0: i32) -> (i32, i32) {
    %c0_i32 = arith.constant 0 : i32
    %c0_i32_0 = arith.constant 0 : i32
    %c0_i32_1 = arith.constant 0 : i32
    return %c0_i32, %c0_i32_0 : i32, i32
  }
  func.func @transform_6(%arg0: i32) -> (i32, i32) {
    %c0_i32 = arith.constant 0 : i32
    %c0_i32_0 = arith.constant 0 : i32
    %c0_i32_1 = arith.constant 0 : i32
    return %c0_i32, %c0_i32_0 : i32, i32
  }
  func.func @transform_7(%arg0: i32) -> (i32, i32) {
    %c0_i32 = arith.constant 0 : i32
    %c0_i32_0 = arith.constant 0 : i32
    %c0_i32_1 = arith.constant 0 : i32
    return %c0_i32, %c0_i32_0 : i32, i32
  }
  func.func @transform_8(%arg0: i32) -> (i32, i32) {
    %c0_i32 = arith.constant 0 : i32
    %c0_i32_0 = arith.constant 0 : i32
    return %arg0, %c0_i32 : i32, i32
  }
}

</mosaic_0001>

<sc_bundles>
// kernel: kernel.11.cloned.1.call-start
scs
__scs_entry_jumppad:
0x0: {  	(pc) =	sbr.rel $0x88, $3  }
0x1: {  	(tag) =	ssettag $0x0;
	lr =	simm.s32 $0x1  }
0x2: {  	[smem:$0x3F9B] =	sst lr;
	_ =	strace $0xD0000000  }
0x3: {  	_ = 	snop  }
0x4: {  	_ = 	snop  }
0x5: {  	_ = 	snop  }
0x6: {  	_ = 	snop  }
0x7: {  	_ = 	snop  }
__scs_overlays_trampoline_lowered:
0x8: {  	[smem:$0x3FAA] =	sst s0  }
0x9: {  	[smem:$0x3FAB] =	sst s1  }
0xa: {  	[smem:$0x3FAC] =	sst s2  }
0xb: {  	[smem:$0x3FAD] =	sst s3  }
0xc: {  	[smem:$0x3FAE] =	sst s4  }
0xd: {  	[smem:$0x3FAF] =	sst s5  }
0xe: {  	[smem:$0x3FB0] =	sst s6  }
0xf: {  	[smem:$0x3FB1] =	sst s7  }
0x10: {  	[smem:$0x3FB2] =	sst s8  }
0x11: {  	[smem:$0x3FB3] =	sst s9;
	s0 =	simm.s32 @!p0 $0x0  }
0x12: {  	s1 =	sld [smem:$0x3F99];
	s0 =	simm.s32 @p0 $0x1  }
0x13: {  	[smem:$0x3FB4] =	sst s0;
	s0 =	simm.s32 @!p1 $0x0  }
0x14: {  	s2 =	sld [smem:$0x3F98];
	s0 =	simm.s32 @p1 $0x1  }
0x15: {  	[smem:$0x3FB5] =	sst s0;
	s0 =	simm.s32 @!p2 $0x0  }
0x16: {  	s3 =	sld [smem:$0x3FDB];
	s0 =	simm.s32 @p2 $0x1  }
0x17: {  	s4 =	simm.s32 $0x1BF5;
	[smem:$0x3FB7] =	sst s0  }
0x18: {  	s0 =	sld [smem:$0x3F9A];
	_ =	swait.ge [sflag:s4], $0x0  }
0x19: {  	s7 =	sld [smem:$0x3F9B]  }
0x1a: {  	s8 =	sadd.s32 $0xFFFFE003, lr  }
0x1b: {  	s9 =	sadd.s32 $0xFFFFFEF7, lr;
	s5 =	simm.s32 $0xFFFFFFFF;
	p2 =	slt.u32 s8, $0xFFFFF086  }
0x1c: {  	p1 =	slt.u32 s9, $0xF7A;
	s5 =	simm.s32 @!p2 $0x0  }
0x1d: {  	s5 =	simm.s32 @p1 $0x1;
	p0 =	seq.s32 s7, s2  }
0x1e: {  	s7 =	smul.u32 @!p0 $0xF7A, s2;
	p2 =	seq.s32 @!p0 s5, $0x0  }
0x1f: {  	s9 =	smul.u32 $0xF7A, s1;
	s8 =	simm.s32 @!p0 $0x1BF5;
	p2 =	por !p2, p0  }
0x20: {  	[sflag:s8] =	ssyncset.s32 @!p0 $0xFFFFF086;
	s6 =	sadd.s32 @!p0 s3, s7;
	s7 =	simm.s32 @!p0 $0x108  }
0x21: {  	s3 =	sadd.s32 s3, s9;
	s6 =	sadd.s32 @!p0 $0x88, s6;
	s7 =	simm.s32 @p2 $0x1082  }
0x22: {  	[simem:s7], [sflag:s8] =	dma.local @!p0 [hbm:s6], $0xF7A  }
0x23: {  	s9 =	sor.u32 $0xD0000000, s2;
	s6 =	simm.s32 $0x108;
	_ =	swait.ge @!p0 [sflag:s8], $0x0  }
0x24: {  	s3 =	sadd.s32 $0x88, s3;
	s6 =	simm.s32 @!p1 $0x1082;
	[sflag:s4] =	ssyncset.s32 $0xFFFFF086  }
0x25: {  	[simem:s6], [sflag:s4] =	dma.local [hbm:s3], $0xF7A  }
0x26: {  	[smem:$0x3F9B] =	sst s1;
	(tag) =	ssettag s2;
	_ =	strace s9  }
0x27: {  	s1 =	sld [smem:$0x3FAB]  }
0x28: {  	s2 =	sld [smem:$0x3FAC]  }
0x29: {  	s4 =	sld [smem:$0x3FAE]  }
0x2a: {  	p0 =	seq.s32 s5, $0x0;
	s5 =	sld [smem:$0x3FAF]  }
0x2b: {  	s6 =	sld [smem:$0x3FB0]  }
0x2c: {  	s7 =	sld [smem:$0x3FB1]  }
0x2d: {  	s3 =	simm.s32 $0x108;
	s8 =	sld [smem:$0x3FB2]  }
0x2e: {  	s3 =	simm.s32 @!p0 $0x1082;
	s9 =	sld [smem:$0x3FB3]  }
0x2f: {  	lr =	sadd.s32 s0, s3;
	s0 =	sld [smem:$0x3FAA]  }
0x30: {  	s3 =	sld [smem:$0x3FAD]  }
0x31: {  	[smem:$0x3FB6] =	sst s10  }
0x32: {  	s10 =	sld [smem:$0x3FB4];
	_ =	sdelay $0x3  }
0x33: {  	p0 =	seq.s32 s10, $0x1;
	s10 =	sld [smem:$0x3FB6];
	_ =	sdelay $0x3  }
0x34: {  	[smem:$0x3FB6] =	sst s10  }
0x35: {  	s10 =	sld [smem:$0x3FB5];
	_ =	sdelay $0x3  }
0x36: {  	p1 =	seq.s32 s10, $0x1;
	s10 =	sld [smem:$0x3FB6];
	_ =	sdelay $0x3  }
0x37: {  	[smem:$0x3FB6] =	sst s10  }
0x38: {  	s10 =	sld [smem:$0x3FB7]  }
0x39: {  	_ = 	snop;
	(pc) =	sbr.ind lr, $3  }
0x3a: {  	_ = 	snop  }
0x3b: {  	_ = 	snop  }
0x3c: {  	p2 =	seq.s32 s10, $0x1;
	s10 =	sld [smem:$0x3FB6]  }
0x3d: {  	_ =	shalt  }
0x3e: {  	_ =	shalt  }
0x3f: {  	_ =	shalt  }
0x40: {  	_ =	shalt  }
0x41: {  	_ =	shalt  }
0x42: {  	_ =	shalt  }
0x43: {  	_ =	shalt  }
0x44: {  	_ =	shalt  }
0x45: {  	_ =	shalt  }
0x46: {  	_ =	shalt  }
0x47: {  	_ =	shalt  }
0x48: {  	_ =	shalt  }
0x49: {  	_ =	shalt  }
0x4a: {  	_ =	shalt  }
0x4b: {  	_ =	shalt  }
0x4c: {  	_ =	shalt  }
0x4d: {  	_ =	shalt  }
0x4e: {  	_ =	shalt  }
0x4f: {  	_ =	shalt  }
0x50: {  	_ =	shalt  }
0x51: {  	_ =	shalt  }
0x52: {  	_ =	shalt  }
0x53: {  	_ =	shalt  }
0x54: {  	_ =	shalt  }
0x55: {  	_ =	shalt  }
0x56: {  	_ =	shalt  }
0x57: {  	_ =	shalt  }
0x58: {  	_ =	shalt  }
0x59: {  	_ =	shalt  }
0x5a: {  	_ =	shalt  }
0x5b: {  	_ =	shalt  }
0x5c: {  	_ =	shalt  }
0x5d: {  	_ =	shalt  }
0x5e: {  	_ =	shalt  }
0x5f: {  	_ =	shalt  }
0x60: {  	_ =	shalt  }
0x61: {  	_ =	shalt  }
0x62: {  	_ =	shalt  }
0x63: {  	_ =	shalt  }
0x64: {  	_ =	shalt  }
0x65: {  	_ =	shalt  }
0x66: {  	_ =	shalt  }
0x67: {  	_ =	shalt  }
0x68: {  	_ =	shalt  }
0x69: {  	_ =	shalt  }
0x6a: {  	_ =	shalt  }
0x6b: {  	_ =	shalt  }
0x6c: {  	_ =	shalt  }
0x6d: {  	_ =	shalt  }
0x6e: {  	_ =	shalt  }
0x6f: {  	_ =	shalt  }
0x70: {  	_ =	shalt  }
0x71: {  	_ =	shalt  }
0x72: {  	_ =	shalt  }
0x73: {  	_ =	shalt  }
0x74: {  	_ =	shalt  }
0x75: {  	_ =	shalt  }
0x76: {  	_ =	shalt  }
0x77: {  	_ =	shalt  }
0x78: {  	_ =	shalt  }
0x79: {  	_ =	shalt  }
0x7a: {  	_ =	shalt  }
0x7b: {  	_ =	shalt  }
0x7c: {  	_ =	shalt  }
0x7d: {  	_ =	shalt  }
0x7e: {  	_ =	shalt  }
0x7f: {  	_ =	shalt  }
0x80: {  	_ =	shalt  }
0x81: {  	_ =	shalt  }
0x82: {  	_ =	shalt  }
0x83: {  	_ =	shalt  }
0x84: {  	_ =	shalt  }
0x85: {  	_ =	shalt  }
0x86: {  	_ =	shalt  }
0x87: {  	_ =	shalt  }
.Lfunc_end0:
.L_simem_size_0:
called_computation.1_lowered:
.L_overlay_start_0:
0x88: {  	s2 =	sld [smem:$0x3FD9]  }
0x89: {  	s3 =	sld [smem:$0x3FFE];
	_ =	sdelay $0x1  }
0x8a: {  	s1 =	srdreg.scid  }
0x8b: {  	s0 =	sand.u32 $0x1, s1  }
0x8c: {  	s17 =	sshll.u32 s0, $0xA;
	s2 =	sadd.s32 s3, s2  }
0x8d: {  	s2 =	sadd.s32 s2, s17  }
0x8e: {  	[smem:$0x3FC2] =	sst s2  }
0x8f: {  	_ = 	snop  }
0x90: {  	s2 =	sld [smem:$0x3FD0];
	(tm) =	ssettm $0x1  }
0x91: {  	s18 =	sld [smem:$0x3FFB];
	_ =	sdelay $0x3  }
0x92: {  	_ =	strace s18  }
0x93: {  	s3 =	sld [smem:$0x3FFC];
	_ =	sdelay $0x3  }
0x94: {  	_ =	strace s3  }
0x95: {  	s3 =	sld [smem:$0x3FFD];
	_ =	sdelay $0x3  }
0x96: {  	_ =	strace s3  }
0x97: {  	_ =	strace $0x8FFFFFFF  }
0x98: {  	s19 =	sld [smem:$0x3FDB];
	_ =	sdelay $0x1  }
0x99: {  	s4 =	simm.s32 $_scs_section_size  }
0x9a: {  	s5 =	simm.s32 $_size__tile_overlayer_lowered;
	s6 =	simm.s32 $_tile_overlayer_lowered  }
0x9b: {  	s22 =	simm.s32 $0x1BFF;
	s21 =	sshll.u32 s6, $0x1;
	s3 =	sadd.s32 s4, s19  }
0x9c: {  	s7 =	simm.s32 $0x0;
	s20 =	sshll.u32 s5, $0x1;
	s5 =	sadd.s32 s21, s3  }
0x9d: {  	[timem:s7], [sflag:s22] =	dma.local [hbm:s5], s20  }
0x9e: {  	_ =	swait.ge [sflag:s22], s20  }
0x9f: {  	s4 =	ssub.s32 $0x0, s20;
	[sflag:s22] =	ssyncset.done $0x0  }
0xa0: {  	[sflag:s22] =	ssyncadd.s32 s4;
	_ =	sdelay $0x1  }
0xa1: {  	s23 =	simm.s32 $0x1B8B  }
0xa2: {  	_ =	swait.ge [sflag:s23], $0x1  }
0xa3: {  	[sflag:s23] =	ssyncset.done $0x0  }
0xa4: {  	s25 =	simm.s32 $0x1B8E;
	s24 =	sld [smem:$0x3FFE];
	[sflag:s23] =	ssyncadd.s32 $0xFFFFFFFF  }
0xa5: {  	s26 =	simm.s32 $execute0_lowered;
	[smem:$0x3FD2] =	sst s25  }
0xa6: {  	s5 =	sshll.u32 s26, $0x1;
	_ =	strace $0x80000049;
	[dreg:$0x1] =	wrdreg $0xFFFFFFFF  }
0xa7: {  	s28 =	simm.s32 $_size_execute0_lowered;
	s3 =	sadd.s32 s3, s5;
	[dreg:$0x0] =	wrdreg $0x0  }
0xa8: {  	s5 =	sshll.u32 s28, $0x1;
	[dreg:$0x2] =	wrdreg s3  }
0xa9: {  	[dreg:$0x3] =	wrdreg s5  }
0xaa: {  	[dreg:$0x4] =	wrdreg $0xC0  }
0xab: {  	_ =	task [dreg:s7], $0x5FFFF  }
0xac: {  	[dreg:$0x1] =	wrdreg $0xFFFFFFFF  }
0xad: {  	[dreg:$0x0] =	wrdreg $0x60  }
0xae: {  	[dreg:$0x2] =	wrdreg s24  }
0xaf: {  	[dreg:$0x3] =	wrdreg s2  }
0xb0: {  	[dreg:$0x4] =	wrdreg $0xDBD00  }
0xb1: {  	[dreg:$0x5] =	wrdreg $0xC3500  }
0xb2: {  	[dreg:$0x6] =	wrdreg $0x9  }
0xb3: {  	_ =	task.clear_ibuf [dreg:s7], $0x7FFFF;
	_ =	strace $0x90000049  }
0xb4: {  	s29 =	simm.s32 $0x9;
	_ =	strace $0x8000004B  }
0xb5: {  	_ =	swait.ge [sflag:s29], $0x1  }
0xb6: {  	[sflag:s29] =	ssyncadd.s32 $0xFFFFFFFF  }
0xb7: {  	_ =	strace $0x9000004B  }
0xb8: {  	_ =	sfence  }
0xb9: {  	s30 =	sld [smem:$0x0];
	_ =	sdelay $0x2  }
0xba: {  	s31 =	sshll.u32 s1, $0xD;
	s1 =	sshrl.u32 s1, $0x2  }
0xbb: {  	s3 =	sand.u32 $0x4000, s31;
	s1 =	sadd.s32 s1, s30  }
0xbc: {  	s0 =	sor.u32 s3, s0;
	s1 =	sshll.u32 s1, $0x11  }
0xbd: {  	s0 =	sor.u32 s1, s0  }
0xbe: {  	s0 =	sadd.s32 $0x8F2B, s0  }
0xbf: {  	[sflag:s0] =	ssyncadd.remote.s32 $0x1  }
0xc0: {  	_ =	sfence.sel $0xFFFF  }
0xc1: {  	[dreg:$0x0] =	wrdreg $0xFFFFFFFF;
	(pc) =	sbr.abs _section_cstart, $3  }
0xc2: {  	[dreg:$0x1] =	wrdreg $0xFFFFFFFF  }
0xc3: {  	_ =	task.clear_ibuf [dreg:s7], $0x2FFFF;
	_ =	strace $0x9FFFFFFF  }
0xc4: {  	(tm) =	ssettm $0x7FFFFFFF  }
0xc5: {  	_ =	shalt  }
tec
execute0_lowered:
.L_overlay_start_1:
0x0: {  	(tag) =	ssettag $0x1  }
0x1: {  	s7 =	rddreg [dreg:$0x0]  }
0x2: {  	s8 =	rddreg [dreg:$0x1]  }
0x3: {  	s0 =	srdreg.scid;
	s1 =	rddreg [dreg:$0x2]  }
0x4: {  	s2 =	rddreg [dreg:$0x3];
	s25 =	stileid.u32;
	s3 =	simm.s32 $0x0  }
0x5: {  	s19 =	simm.s32 $0x3;
	s20 =	simm.s32 $0x2710;
	s21 =	simm.s32 $0x7530  }
0x6: {  	s22 =	simm.s32 $0x4E20;
	s23 =	simm.s32 $0x9C40;
	s24 =	simm.s32 $0x1  }
0x7: {  	s26 =	simm.s32 $0x1C03;
	s28 =	simm.s32 $0x0;
	s5 =	sand.u32 $0x1, s0  }
0x8: {  	[smem:$0x7FF] =	sst s3;
	s14 =	smul.u32 $0x186A0, s25;
	s6 =	sadd.s32 $0xC8600, s7  }
0x9: {  	p0 =	seq.s32 s25, $0x1;
	s17 =	sshrl.u32 s2, $0x3;
	p1 =	sne.s32 s25, $0x0  }
0xa: {  	s4 =	sshll.u32 s5, $0x4;
	_ =	strace $0x8000004A;
	s10 =	smul.u32 $0x3100, s5  }
0xb: {  	s11 =	ssub.s32 $0x2, s5;
	s12 =	smul.u32 $0x186A00, s5;
	s5 =	sadd.s32 $0xE00, s7  }
0xc: {  	s4 =	sor.u32 s25, s4;
	s13 =	sshrl.u32 s11, $0x1;
	s25 =	simm.s32 $0x2  }
0xd: {  	s9 =	smul.u32 $0x186A0, s4;
	s4 =	sadd.s32 $0x62A00, s7;
	s7 =	sadd.s32 $0xC5400, s7  }
0xe: {  	s11 =	ssub.s32 s11, s13;
	s8 =	sadd.s32 s8, s10;
	s16 =	sadd.s32 s14, s12  }
0xf: {  	s12 =	sadd.s32 $0x7530, s16;
	s16 =	sadd.s32 $0x4E20, s16;
	s31 =	sshrl.u32 s9, $0x3  }
0x10: {  	s9 =	smax.u32 s11, $0x1;
	s15 =	sshrl.u32 s12, $0x3;
	s10 =	sadd.s32 s4, s31  }
0x11: {  	s11 =	sadd.s32 s5, s31;
	s13 =	sadd.s32 $0x4E2, s31;
	s14 =	sadd.s32 s15, s5  }
0x12: {  	s15 =	sadd.s32 s15, s4;
	s12 =	sadd.s32 s4, s13;
	s13 =	sadd.s32 s5, s13  }
.LBB2_1:
.Ltmp0:
0x13: {  	(pc) =	sbr.rel @p0 .LBB2_4-.Ltmp0, $1  }
0x14: {  	_ =	sdelay $0x3  }
.Ltmp1:
0x15: {  	(pc) =	sbr.rel @p1 .LBB2_6-.Ltmp1, $1  }
0x16: {  	_ =	sdelay $0x3  }
.Ltmp2:
0x17: {  	(pc) =	sbr.rel .LBB2_5-.Ltmp2, $3  }
0x18: {  	_ =	sdelay $0x1  }
0x19: {  	s29 =	sshrl.u32 s1, $0x3  }
0x1a: {  	[spmem:s29], [sflag:s26] =	dma.local [hbm:s7], $0x3100  }
.LBB2_4:
0x1b: {  	s0 =	simm.s32 $0x1C43  }
0x1c: {  	[spmem:s17], [sflag:s0] =	dma.local [hbm:s6], $0x3100  }
.LBB2_5:
0x1d: {  	_ =	swait.ge [sflag:s19], $0x3100  }
0x1e: {  	[sflag:s19] =	ssyncset.done $0x0  }
0x1f: {  	[sflag:s19] =	ssyncadd.s32 $0xFFFFCF00  }
.LBB2_6:
0x20: {  	[bflag:$0x0] =	sbarrier.arrive $0xFFFF;
	s29 =	simm.s32 $0x0  }
0x21: {  	[tilespmem:s29], [sflag:$0x3] =	stream.linear.gather [hbm4b:s10+s29], $0x2710, $0x38;
	[tilespmem:$0xF450] =	vst v63  }
0x22: {  	_ =	swait.ge [sflag:s19], $0x2710  }
0x23: {  	[sflag:s19] =	ssyncset.done $0x0  }
0x24: {  	[sflag:s19] =	ssyncadd.s32 $0xFFFFD8F0  }
0x25: {  	[tilespmem:s20], [sflag:$0x3] =	stream.linear.gather [hbm4b:s11+s29], $0x2710, $0x38;
	[tilespmem:$0xF450] =	vst v63  }
0x26: {  	_ =	swait.ge [sflag:s19], $0x2710  }
0x27: {  	[sflag:s19] =	ssyncset.done $0x0  }
0x28: {  	[sflag:s19] =	ssyncadd.s32 $0xFFFFD8F0  }
0x29: {  	[tilespmem:s21], [sflag:$0x3] =	stream.indirect.gather [spmem:s2], $0x1, s29, s20, $0xb8;
	[tilespmem:$0xF450] =	vst v63  }
0x2a: {  	_ =	swait.ge [sflag:s19], $0x2710  }
0x2b: {  	[sflag:s19] =	ssyncset.done $0x0  }
0x2c: {  	[sflag:s19] =	ssyncadd.s32 $0xFFFFD8F0  }
0x2d: {  	[spmem:s1] =	stream.indirect.scatter.add.f32 [tilespmem:s21], [sflag:$0x1], $0x1, s20, s20, $0xb8;
	[tilespmem:$0xF450] =	vst v63  }
0x2e: {  	_ = 	snop  }
0x2f: {  	[tilespmem:s29], [sflag:$0x3] =	stream.linear.gather [hbm4b:s12+s29], $0x2710, $0x38;
	[tilespmem:$0xF450] =	vst v63  }
0x30: {  	_ =	swait.ge [sflag:s19], $0x2710  }
0x31: {  	[sflag:s19] =	ssyncset.done $0x0  }
0x32: {  	[sflag:s19] =	ssyncadd.s32 $0xFFFFD8F0  }
0x33: {  	[tilespmem:s22], [sflag:$0x3] =	stream.linear.gather [hbm4b:s13+s29], $0x2710, $0x38;
	[tilespmem:$0xF450] =	vst v63  }
0x34: {  	_ =	swait.ge [sflag:s19], $0x2710  }
0x35: {  	[sflag:s19] =	ssyncset.done $0x0  }
0x36: {  	[sflag:s19] =	ssyncadd.s32 $0xFFFFD8F0  }
0x37: {  	[tilespmem:s23], [sflag:$0x3] =	stream.indirect.gather [spmem:s2], $0x1, s29, s20, $0xb8;
	[tilespmem:$0xF450] =	vst v63  }
0x38: {  	_ =	swait.ge [sflag:s19], $0x2710  }
0x39: {  	[sflag:s19] =	ssyncset.done $0x0  }
0x3a: {  	[sflag:s19] =	ssyncadd.s32 $0xFFFFD8F0  }
0x3b: {  	[spmem:s1] =	stream.indirect.scatter.add.f32 [tilespmem:s23], [sflag:$0x2], $0x1, s22, s20, $0xb8;
	[tilespmem:$0xF450] =	vst v63  }
0x3c: {  	_ =	swait.ge [sflag:s24], $0x2710  }
0x3d: {  	s29 =	sshrl.u32 s16, $0x3;
	[sflag:s24] =	ssyncset.done $0x0  }
0x3e: {  	s30 =	sadd.s32 s4, s29;
	[sflag:s24] =	ssyncadd.s32 $0xFFFFD8F0  }
0x3f: {  	[tilespmem:s3], [sflag:$0x3] =	stream.linear.gather [hbm4b:s30+s3], $0x2710, $0x38;
	[tilespmem:$0xF450] =	vst v63  }
0x40: {  	_ =	swait.ge [sflag:s19], $0x2710  }
0x41: {  	[sflag:s19] =	ssyncset.done $0x0  }
0x42: {  	s29 =	sadd.s32 s5, s29;
	[sflag:s19] =	ssyncadd.s32 $0xFFFFD8F0  }
0x43: {  	[tilespmem:s20], [sflag:$0x3] =	stream.linear.gather [hbm4b:s29+s3], $0x2710, $0x38;
	[tilespmem:$0xF450] =	vst v63  }
0x44: {  	_ =	swait.ge [sflag:s19], $0x2710  }
0x45: {  	[sflag:s19] =	ssyncset.done $0x0  }
0x46: {  	[sflag:s19] =	ssyncadd.s32 $0xFFFFD8F0  }
0x47: {  	[tilespmem:s21], [sflag:$0x3] =	stream.indirect.gather [spmem:s2], $0x1, s3, s20, $0xb8;
	[tilespmem:$0xF450] =	vst v63  }
0x48: {  	_ =	swait.ge [sflag:s19], $0x2710  }
0x49: {  	[sflag:s19] =	ssyncset.done $0x0  }
0x4a: {  	[sflag:s19] =	ssyncadd.s32 $0xFFFFD8F0  }
0x4b: {  	[spmem:s1] =	stream.indirect.scatter.add.f32 [tilespmem:s21], [sflag:$0x1], $0x1, s20, s20, $0xb8;
	[tilespmem:$0xF450] =	vst v63  }
0x4c: {  	_ =	swait.ge [sflag:s25], $0x2710  }
0x4d: {  	[sflag:s25] =	ssyncset.done $0x0  }
0x4e: {  	s29 =	sadd.s32 $0x0, s15;
	[sflag:s25] =	ssyncadd.s32 $0xFFFFD8F0  }
0x4f: {  	[tilespmem:s3], [sflag:$0x3] =	stream.linear.gather [hbm4b:s29+s3], $0x2710, $0x38;
	[tilespmem:$0xF450] =	vst v63  }
0x50: {  	_ =	swait.ge [sflag:s19], $0x2710  }
0x51: {  	[sflag:s19] =	ssyncset.done $0x0  }
0x52: {  	s29 =	sadd.s32 $0x0, s14;
	[sflag:s19] =	ssyncadd.s32 $0xFFFFD8F0  }
0x53: {  	[tilespmem:s22], [sflag:$0x3] =	stream.linear.gather [hbm4b:s29+s3], $0x2710, $0x38;
	[tilespmem:$0xF450] =	vst v63  }
0x54: {  	_ =	swait.ge [sflag:s19], $0x2710  }
0x55: {  	[sflag:s19] =	ssyncset.done $0x0  }
0x56: {  	[sflag:s19] =	ssyncadd.s32 $0xFFFFD8F0  }
0x57: {  	[tilespmem:s23], [sflag:$0x3] =	stream.indirect.gather [spmem:s2], $0x1, s3, s20, $0xb8;
	[tilespmem:$0xF450] =	vst v63  }
0x58: {  	_ =	swait.ge [sflag:s19], $0x2710  }
0x59: {  	[sflag:s19] =	ssyncset.done $0x0  }
0x5a: {  	s30 =	sadd.s32 $0x4E20, s16;
	s29 =	simm.s32 $0x9C4;
	[sflag:s19] =	ssyncadd.s32 $0xFFFFD8F0  }
.LBB2_7:
0x5b: {  	[spmem:s1] =	stream.indirect.scatter.add.f32 [tilespmem:s23], [sflag:$0x2], $0x1, s22, s20, $0xb8;
	[tilespmem:$0xF450] =	vst v63  }
0x5c: {  	s31 =	smov.u32 s29  }
0x5d: {  	p2 =	sne.s32 s29, $0x1D4C;
	s29 =	sadd.s32 $0x9C4, s29;
	_ =	swait.ge [sflag:s24], $0x2710  }
0x5e: {  	s0 =	sshrl.u32 s30, $0x3;
	[sflag:s24] =	ssyncset.done $0x0  }
0x5f: {  	s18 =	sadd.s32 s4, s0;
	[sflag:s24] =	ssyncadd.s32 $0xFFFFD8F0  }
0x60: {  	[tilespmem:s3], [sflag:$0x3] =	stream.linear.gather [hbm4b:s18+s3], $0x2710, $0x38;
	[tilespmem:$0xF450] =	vst v63  }
0x61: {  	_ =	swait.ge [sflag:s19], $0x2710  }
0x62: {  	[sflag:s19] =	ssyncset.done $0x0  }
0x63: {  	s0 =	sadd.s32 s5, s0;
	[sflag:s19] =	ssyncadd.s32 $0xFFFFD8F0  }
0x64: {  	[tilespmem:s20], [sflag:$0x3] =	stream.linear.gather [hbm4b:s0+s3], $0x2710, $0x38;
	[tilespmem:$0xF450] =	vst v63  }
0x65: {  	_ =	swait.ge [sflag:s19], $0x2710  }
0x66: {  	[sflag:s19] =	ssyncset.done $0x0  }
0x67: {  	[sflag:s19] =	ssyncadd.s32 $0xFFFFD8F0  }
0x68: {  	[tilespmem:s21], [sflag:$0x3] =	stream.indirect.gather [spmem:s2], $0x1, s3, s20, $0xb8;
	[tilespmem:$0xF450] =	vst v63  }
0x69: {  	_ =	swait.ge [sflag:s19], $0x2710  }
0x6a: {  	[sflag:s19] =	ssyncset.done $0x0  }
0x6b: {  	[sflag:s19] =	ssyncadd.s32 $0xFFFFD8F0  }
0x6c: {  	[spmem:s1] =	stream.indirect.scatter.add.f32 [tilespmem:s21], [sflag:$0x1], $0x1, s20, s20, $0xb8;
	[tilespmem:$0xF450] =	vst v63  }
0x6d: {  	_ =	swait.ge [sflag:s25], $0x2710  }
0x6e: {  	[sflag:s25] =	ssyncset.done $0x0  }
0x6f: {  	s0 =	sadd.s32 s31, s15;
	[sflag:s25] =	ssyncadd.s32 $0xFFFFD8F0  }
0x70: {  	[tilespmem:s3], [sflag:$0x3] =	stream.linear.gather [hbm4b:s0+s3], $0x2710, $0x38;
	[tilespmem:$0xF450] =	vst v63  }
0x71: {  	_ =	swait.ge [sflag:s19], $0x2710  }
0x72: {  	[sflag:s19] =	ssyncset.done $0x0  }
0x73: {  	s0 =	sadd.s32 s31, s14;
	[sflag:s19] =	ssyncadd.s32 $0xFFFFD8F0  }
0x74: {  	[tilespmem:s22], [sflag:$0x3] =	stream.linear.gather [hbm4b:s0+s3], $0x2710, $0x38;
	[tilespmem:$0xF450] =	vst v63  }
0x75: {  	_ =	swait.ge [sflag:s19], $0x2710  }
0x76: {  	[sflag:s19] =	ssyncset.done $0x0  }
.Ltmp3:
0x77: {  	[sflag:s19] =	ssyncadd.s32 $0xFFFFD8F0;
	(pc) =	sbr.rel @p2 .LBB2_7-.Ltmp3, $4  }
0x78: {  	[tilespmem:s23], [sflag:$0x3] =	stream.indirect.gather [spmem:s2], $0x1, s3, s20, $0xb8;
	[tilespmem:$0xF450] =	vst v63  }
0x79: {  	_ =	swait.ge [sflag:s19], $0x2710  }
0x7a: {  	[sflag:s19] =	ssyncset.done $0x0  }
0x7b: {  	s30 =	sadd.s32 $0x4E20, s30;
	[sflag:s19] =	ssyncadd.s32 $0xFFFFD8F0  }
0x7c: {  	[spmem:s1] =	stream.indirect.scatter.add.f32 [tilespmem:s23], [sflag:$0x2], $0x1, s22, s20, $0xb8;
	[tilespmem:$0xF450] =	vst v63  }
0x7d: {  	_ =	swait.ge [sflag:s24], $0x2710  }
0x7e: {  	[sflag:s24] =	ssyncset.done $0x0  }
0x7f: {  	[sflag:s24] =	ssyncadd.s32 $0xFFFFD8F0  }
0x80: {  	_ =	swait.ge [sflag:s25], $0x2710  }
0x81: {  	[sflag:s25] =	ssyncset.done $0x0  }
0x82: {  	s0 =	sshrl.u32 @!p1 s1, $0x3;
	s28 =	sadd.s32 $0x1, s28;
	[sflag:s25] =	ssyncadd.s32 $0xFFFFD8F0  }
0x83: {  	s18 =	simm.s32 @!p1 $0x1C03;
	p2 =	sne.s32 s28, s9;
	[bflag:$0x0] =	sbarrier.arrive $0xFFFF  }
0x84: {  	[hbm:s8], [sflag:s18] =	dma.local @!p1 [spmem:s0], $0x3100  }
.Ltmp4:
0x85: {  	_ = 	snop;
	(pc) =	sbr.rel @p2 .LBB2_1-.Ltmp4, $4  }
0x86: {  	s0 =	simm.s32 @!p1 $0x3  }
0x87: {  	_ =	swait.ge @!p1 [sflag:s0], $0x3100  }
0x88: {  	[sflag:s0] =	ssyncset.done @!p1 $0x0  }
0x89: {  	[sflag:s0] =	ssyncadd.s32 @!p1 $0xFFFFCF00  }
0x8a: {  	_ =	sfence.sel $0x180000  }
0x8b: {  	[bflag:$0x0] =	sbarrier.arrive $0xFFFF  }
0x8c: {  	_ =	strace $0x9000004A  }
0x8d: {  	[bflag:$0x2] =	sbarrier.arrive $0xFFFF  }
0x8e: {  	s0 =	rddreg [dreg:$0x4]  }
0x8f: {  	s0 =	sadd.s32 @!p1 $0x100000, s0  }
0x90: {  	[sflag:s0] =	ssyncadd.tile.s32 @!p1 $0x1;
	_ =	shalt  }
.Lfunc_end2:
_tile_overlayer_lowered:
.L_overlay_start_2:
0x91: {  	(tag) =	ssettag $0x2  }
0x92: {  	s0 =	rddreg [dreg:$0x0];
	s2 =	stileid.u32  }
0x93: {  	s1 =	rddreg [dreg:$0x1];
	p0 =	sne.s32 s2, $0x0  }
0x94: {  	s3 =	rddreg [dreg:$0x2];
	[bflag:$0x3] =	sbarrier.arrive $0xFFFF;
	s2 =	simm.s32 @!p0 $0x1C03  }
0x95: {  	[timem:s3], [sflag:s2] =	dma.local @!p0 [hbm:s0], s1  }
0x96: {  	s0 =	simm.s32 @!p0 $0x3  }
0x97: {  	_ =	swait.ge @!p0 [sflag:s0], s1  }
0x98: {  	s1 =	ssub.s32 @!p0 $0x0, s1;
	[sflag:s0] =	ssyncset.done @!p0 $0x0  }
0x99: {  	[sflag:s0] =	ssyncadd.s32 @!p0 s1  }
0x9a: {  	[bflag:$0x3] =	sbarrier.arrive $0xFFFF  }
0x9b: {  	_ =	shalt  }

// kernel: kernel.14.cloned.1.call-start
scs
__scs_entry_jumppad:
0x0: {  	(pc) =	sbr.rel $0x88, $3  }
0x1: {  	(tag) =	ssettag $0x0;
	lr =	simm.s32 $0x1  }
0x2: {  	[smem:$0x3F9B] =	sst lr;
	_ =	strace $0xD0000000  }
0x3: {  	_ = 	snop  }
0x4: {  	_ = 	snop  }
0x5: {  	_ = 	snop  }
0x6: {  	_ = 	snop  }
0x7: {  	_ = 	snop  }
__scs_overlays_trampoline_lowered:
0x8: {  	[smem:$0x3FAA] =	sst s0  }
0x9: {  	[smem:$0x3FAB] =	sst s1  }
0xa: {  	[smem:$0x3FAC] =	sst s2  }
0xb: {  	[smem:$0x3FAD] =	sst s3  }
0xc: {  	[smem:$0x3FAE] =	sst s4  }
0xd: {  	[smem:$0x3FAF] =	sst s5  }
0xe: {  	[smem:$0x3FB0] =	sst s6  }
0xf: {  	[smem:$0x3FB1] =	sst s7  }
0x10: {  	[smem:$0x3FB2] =	sst s8  }
0x11: {  	[smem:$0x3FB3] =	sst s9;
	s0 =	simm.s32 @!p0 $0x0  }
0x12: {  	s1 =	sld [smem:$0x3F99];
	s0 =	simm.s32 @p0 $0x1  }
0x13: {  	[smem:$0x3FB4] =	sst s0;
	s0 =	simm.s32 @!p1 $0x0  }
0x14: {  	s2 =	sld [smem:$0x3F98];
	s0 =	simm.s32 @p1 $0x1  }
0x15: {  	[smem:$0x3FB5] =	sst s0;
	s0 =	simm.s32 @!p2 $0x0  }
0x16: {  	s3 =	sld [smem:$0x3FDB];
	s0 =	simm.s32 @p2 $0x1  }
0x17: {  	s4 =	simm.s32 $0x1BF5;
	[smem:$0x3FB7] =	sst s0  }
0x18: {  	s0 =	sld [smem:$0x3F9A];
	_ =	swait.ge [sflag:s4], $0x0  }
0x19: {  	s7 =	sld [smem:$0x3F9B]  }
0x1a: {  	s8 =	sadd.s32 $0xFFFFE003, lr  }
0x1b: {  	s9 =	sadd.s32 $0xFFFFFEF7, lr;
	s5 =	simm.s32 $0xFFFFFFFF;
	p2 =	slt.u32 s8, $0xFFFFF086  }
0x1c: {  	p1 =	slt.u32 s9, $0xF7A;
	s5 =	simm.s32 @!p2 $0x0  }
0x1d: {  	s5 =	simm.s32 @p1 $0x1;
	p0 =	seq.s32 s7, s2  }
0x1e: {  	s7 =	smul.u32 @!p0 $0xF7A, s2;
	p2 =	seq.s32 @!p0 s5, $0x0  }
0x1f: {  	s9 =	smul.u32 $0xF7A, s1;
	s8 =	simm.s32 @!p0 $0x1BF5;
	p2 =	por !p2, p0  }
0x20: {  	[sflag:s8] =	ssyncset.s32 @!p0 $0xFFFFF086;
	s6 =	sadd.s32 @!p0 s3, s7;
	s7 =	simm.s32 @!p0 $0x108  }
0x21: {  	s3 =	sadd.s32 s3, s9;
	s6 =	sadd.s32 @!p0 $0x88, s6;
	s7 =	simm.s32 @p2 $0x1082  }
0x22: {  	[simem:s7], [sflag:s8] =	dma.local @!p0 [hbm:s6], $0xF7A  }
0x23: {  	s9 =	sor.u32 $0xD0000000, s2;
	s6 =	simm.s32 $0x108;
	_ =	swait.ge @!p0 [sflag:s8], $0x0  }
0x24: {  	s3 =	sadd.s32 $0x88, s3;
	s6 =	simm.s32 @!p1 $0x1082;
	[sflag:s4] =	ssyncset.s32 $0xFFFFF086  }
0x25: {  	[simem:s6], [sflag:s4] =	dma.local [hbm:s3], $0xF7A  }
0x26: {  	[smem:$0x3F9B] =	sst s1;
	(tag) =	ssettag s2;
	_ =	strace s9  }
0x27: {  	s1 =	sld [smem:$0x3FAB]  }
0x28: {  	s2 =	sld [smem:$0x3FAC]  }
0x29: {  	s4 =	sld [smem:$0x3FAE]  }
0x2a: {  	p0 =	seq.s32 s5, $0x0;
	s5 =	sld [smem:$0x3FAF]  }
0x2b: {  	s6 =	sld [smem:$0x3FB0]  }
0x2c: {  	s7 =	sld [smem:$0x3FB1]  }
0x2d: {  	s3 =	simm.s32 $0x108;
	s8 =	sld [smem:$0x3FB2]  }
0x2e: {  	s3 =	simm.s32 @!p0 $0x1082;
	s9 =	sld [smem:$0x3FB3]  }
0x2f: {  	lr =	sadd.s32 s0, s3;
	s0 =	sld [smem:$0x3FAA]  }
0x30: {  	s3 =	sld [smem:$0x3FAD]  }
0x31: {  	[smem:$0x3FB6] =	sst s10  }
0x32: {  	s10 =	sld [smem:$0x3FB4];
	_ =	sdelay $0x3  }
0x33: {  	p0 =	seq.s32 s10, $0x1;
	s10 =	sld [smem:$0x3FB6];
	_ =	sdelay $0x3  }
0x34: {  	[smem:$0x3FB6] =	sst s10  }
0x35: {  	s10 =	sld [smem:$0x3FB5];
	_ =	sdelay $0x3  }
0x36: {  	p1 =	seq.s32 s10, $0x1;
	s10 =	sld [smem:$0x3FB6];
	_ =	sdelay $0x3  }
0x37: {  	[smem:$0x3FB6] =	sst s10  }
0x38: {  	s10 =	sld [smem:$0x3FB7]  }
0x39: {  	_ = 	snop;
	(pc) =	sbr.ind lr, $3  }
0x3a: {  	_ = 	snop  }
0x3b: {  	_ = 	snop  }
0x3c: {  	p2 =	seq.s32 s10, $0x1;
	s10 =	sld [smem:$0x3FB6]  }
0x3d: {  	_ =	shalt  }
0x3e: {  	_ =	shalt  }
0x3f: {  	_ =	shalt  }
0x40: {  	_ =	shalt  }
0x41: {  	_ =	shalt  }
0x42: {  	_ =	shalt  }
0x43: {  	_ =	shalt  }
0x44: {  	_ =	shalt  }
0x45: {  	_ =	shalt  }
0x46: {  	_ =	shalt  }
0x47: {  	_ =	shalt  }
0x48: {  	_ =	shalt  }
0x49: {  	_ =	shalt  }
0x4a: {  	_ =	shalt  }
0x4b: {  	_ =	shalt  }
0x4c: {  	_ =	shalt  }
0x4d: {  	_ =	shalt  }
0x4e: {  	_ =	shalt  }
0x4f: {  	_ =	shalt  }
0x50: {  	_ =	shalt  }
0x51: {  	_ =	shalt  }
0x52: {  	_ =	shalt  }
0x53: {  	_ =	shalt  }
0x54: {  	_ =	shalt  }
0x55: {  	_ =	shalt  }
0x56: {  	_ =	shalt  }
0x57: {  	_ =	shalt  }
0x58: {  	_ =	shalt  }
0x59: {  	_ =	shalt  }
0x5a: {  	_ =	shalt  }
0x5b: {  	_ =	shalt  }
0x5c: {  	_ =	shalt  }
0x5d: {  	_ =	shalt  }
0x5e: {  	_ =	shalt  }
0x5f: {  	_ =	shalt  }
0x60: {  	_ =	shalt  }
0x61: {  	_ =	shalt  }
0x62: {  	_ =	shalt  }
0x63: {  	_ =	shalt  }
0x64: {  	_ =	shalt  }
0x65: {  	_ =	shalt  }
0x66: {  	_ =	shalt  }
0x67: {  	_ =	shalt  }
0x68: {  	_ =	shalt  }
0x69: {  	_ =	shalt  }
0x6a: {  	_ =	shalt  }
0x6b: {  	_ =	shalt  }
0x6c: {  	_ =	shalt  }
0x6d: {  	_ =	shalt  }
0x6e: {  	_ =	shalt  }
0x6f: {  	_ =	shalt  }
0x70: {  	_ =	shalt  }
0x71: {  	_ =	shalt  }
0x72: {  	_ =	shalt  }
0x73: {  	_ =	shalt  }
0x74: {  	_ =	shalt  }
0x75: {  	_ =	shalt  }
0x76: {  	_ =	shalt  }
0x77: {  	_ =	shalt  }
0x78: {  	_ =	shalt  }
0x79: {  	_ =	shalt  }
0x7a: {  	_ =	shalt  }
0x7b: {  	_ =	shalt  }
0x7c: {  	_ =	shalt  }
0x7d: {  	_ =	shalt  }
0x7e: {  	_ =	shalt  }
0x7f: {  	_ =	shalt  }
0x80: {  	_ =	shalt  }
0x81: {  	_ =	shalt  }
0x82: {  	_ =	shalt  }
0x83: {  	_ =	shalt  }
0x84: {  	_ =	shalt  }
0x85: {  	_ =	shalt  }
0x86: {  	_ =	shalt  }
0x87: {  	_ =	shalt  }
.Lfunc_end0:
.L_simem_size_0:
called_computation.2_lowered:
.L_overlay_start_0:
0x88: {  	s2 =	sld [smem:$0x3FD9]  }
0x89: {  	s3 =	sld [smem:$0x3FFE];
	_ =	sdelay $0x1  }
0x8a: {  	s1 =	srdreg.scid  }
0x8b: {  	s0 =	sand.u32 $0x1, s1  }
0x8c: {  	s16 =	sshll.u32 s0, $0xA;
	s2 =	sadd.s32 s3, s2  }
0x8d: {  	s2 =	sadd.s32 s2, s16  }
0x8e: {  	[smem:$0x3FC2] =	sst s2  }
0x8f: {  	_ = 	snop  }
0x90: {  	(tm) =	ssettm $0x1  }
0x91: {  	s17 =	sld [smem:$0x3FFB];
	_ =	sdelay $0x3  }
0x92: {  	_ =	strace s17  }
0x93: {  	s2 =	sld [smem:$0x3FFC];
	_ =	sdelay $0x3  }
0x94: {  	_ =	strace s2  }
0x95: {  	s2 =	sld [smem:$0x3FFD];
	_ =	sdelay $0x3  }
0x96: {  	_ =	strace s2  }
0x97: {  	_ =	strace $0x8FFFFFFF  }
0x98: {  	s18 =	sld [smem:$0x3FDB];
	_ =	sdelay $0x1  }
0x99: {  	s19 =	simm.s32 $_scs_section_size  }
0x9a: {  	s4 =	simm.s32 $_size__tile_overlayer_lowered;
	s5 =	simm.s32 $_tile_overlayer_lowered  }
0x9b: {  	s22 =	simm.s32 $0x1BFF;
	s21 =	sshll.u32 s5, $0x1;
	s2 =	sadd.s32 s19, s18  }
0x9c: {  	s6 =	simm.s32 $0x0;
	s20 =	sshll.u32 s4, $0x1;
	s4 =	sadd.s32 s21, s2  }
0x9d: {  	[timem:s6], [sflag:s22] =	dma.local [hbm:s4], s20  }
0x9e: {  	_ =	swait.ge [sflag:s22], s20  }
0x9f: {  	s3 =	ssub.s32 $0x0, s20;
	[sflag:s22] =	ssyncset.done $0x0  }
0xa0: {  	[sflag:s22] =	ssyncadd.s32 s3;
	_ =	sdelay $0x1  }
0xa1: {  	s23 =	simm.s32 $0x1B8B  }
0xa2: {  	_ =	swait.ge [sflag:s23], $0x1  }
0xa3: {  	[sflag:s23] =	ssyncset.done $0x0  }
0xa4: {  	s25 =	simm.s32 $0x1B8E;
	s24 =	sld [smem:$0x3FFE];
	[sflag:s23] =	ssyncadd.s32 $0xFFFFFFFF  }
0xa5: {  	s26 =	simm.s32 $execute0_lowered;
	[smem:$0x3FD2] =	sst s25  }
0xa6: {  	s4 =	sshll.u32 s26, $0x1;
	_ =	strace $0x8000004C;
	[dreg:$0x1] =	wrdreg $0xFFFFFFFF  }
0xa7: {  	s28 =	simm.s32 $_size_execute0_lowered;
	s2 =	sadd.s32 s2, s4;
	[dreg:$0x0] =	wrdreg $0x0  }
0xa8: {  	s4 =	sshll.u32 s28, $0x1;
	[dreg:$0x2] =	wrdreg s2  }
0xa9: {  	[dreg:$0x3] =	wrdreg s4  }
0xaa: {  	[dreg:$0x4] =	wrdreg $0xC0  }
0xab: {  	_ =	task [dreg:s6], $0x5FFFF  }
0xac: {  	[dreg:$0x1] =	wrdreg $0xFFFFFFFF  }
0xad: {  	[dreg:$0x0] =	wrdreg $0x60  }
0xae: {  	[dreg:$0x2] =	wrdreg s24  }
0xaf: {  	[dreg:$0x3] =	wrdreg $0x70800  }
0xb0: {  	[dreg:$0x4] =	wrdreg $0x9  }
0xb1: {  	_ =	task.clear_ibuf [dreg:s6], $0x5FFFF;
	_ =	strace $0x9000004C  }
0xb2: {  	s29 =	simm.s32 $0x9;
	_ =	strace $0x8000004E  }
0xb3: {  	_ =	swait.ge [sflag:s29], $0x1  }
0xb4: {  	[sflag:s29] =	ssyncadd.s32 $0xFFFFFFFF  }
0xb5: {  	_ =	strace $0x9000004E  }
0xb6: {  	_ =	sfence  }
0xb7: {  	s30 =	sld [smem:$0x0];
	_ =	sdelay $0x2  }
0xb8: {  	s31 =	sshll.u32 s1, $0xD;
	s1 =	sshrl.u32 s1, $0x2  }
0xb9: {  	s3 =	sand.u32 $0x4000, s31;
	s1 =	sadd.s32 s1, s30  }
0xba: {  	s0 =	sor.u32 s3, s0;
	s1 =	sshll.u32 s1, $0x11  }
0xbb: {  	s0 =	sor.u32 s1, s0  }
0xbc: {  	s0 =	sadd.s32 $0x8F2B, s0  }
0xbd: {  	[sflag:s0] =	ssyncadd.remote.s32 $0x1  }
0xbe: {  	_ =	sfence.sel $0xFFFF  }
0xbf: {  	[dreg:$0x0] =	wrdreg $0xFFFFFFFF;
	(pc) =	sbr.abs _section_cstart, $3  }
0xc0: {  	[dreg:$0x1] =	wrdreg $0xFFFFFFFF  }
0xc1: {  	_ =	task.clear_ibuf [dreg:s6], $0x2FFFF;
	_ =	strace $0x9FFFFFFF  }
0xc2: {  	(tm) =	ssettm $0x7FFFFFFF  }
0xc3: {  	_ =	shalt  }
tec
execute0_lowered:
.L_overlay_start_1:
0x0: {  	(tag) =	ssettag $0x1  }
0x1: {  	s0 =	rddreg [dreg:$0x0]  }
0x2: {  	s1 =	rddreg [dreg:$0x1];
	s2 =	simm.s32 $0x0  }
0x3: {  	s3 =	srdreg.scid;
	s8 =	stileid.u32;
	s28 =	simm.s32 $0x960  }
0x4: {  	s29 =	simm.s32 $0x3E80;
	s30 =	simm.s32 $0x1;
	s31 =	simm.s32 $0x2  }
0x5: {  	[smem:$0x7FF] =	sst s2;
	s7 =	sand.u32 $0x1, s3;
	s3 =	sadd.s32 $0x62A00, s0  }
0x6: {  	s4 =	sadd.s32 $0xE00, s0;
	s5 =	sadd.s32 $0x24C600, s0;
	s9 =	smul.u32 $0x62000, s8  }
0x7: {  	s17 =	smul.u32 $0x186A0, s8;
	p0 =	sne.s32 s8, $0x0;
	_ =	strace $0x8000004D  }
0x8: {  	s6 =	smul.u32 $0x31000, s7;
	s21 =	ssub.s32 $0x2, s7;
	s10 =	sshll.u32 s7, $0x4  }
0x9: {  	s7 =	smul.u32 $0x186A00, s7;
	s11 =	sshrl.u32 s21, $0x1;
	s9 =	sshrl.u32 s9, $0x2  }
0xa: {  	s10 =	sor.u32 s8, s10;
	s0 =	sadd.s32 s6, s0;
	s6 =	sadd.s32 s9, s1  }
0xb: {  	s15 =	ssub.s32 s21, s11;
	s16 =	smul.u32 $0x186A0, s10;
	s9 =	sadd.s32 $0x3200, s6  }
0xc: {  	s7 =	sadd.s32 s17, s7;
	s22 =	sadd.s32 $0x6400, s6;
	[dreg:$0x3] =	wrdreg s9  }
0xd: {  	s23 =	sadd.s32 $0x9600, s6;
	s24 =	sadd.s32 $0xC800, s6;
	[dreg:$0x4] =	wrdreg s22  }
0xe: {  	s25 =	sadd.s32 $0xFA00, s6;
	s12 =	sadd.s32 $0x12C00, s6;
	[dreg:$0x5] =	wrdreg s23  }
0xf: {  	s13 =	sadd.s32 $0x15E00, s6;
	s14 =	sadd.s32 $0x27D600, s0;
	[dreg:$0x6] =	wrdreg s24  }
0x10: {  	s15 =	smax.u32 s15, $0x1;
	s18 =	sadd.s32 $0x960, s7;
	[dreg:$0x7] =	wrdreg s25  }
0x11: {  	s26 =	sshrl.u32 s16, $0x3;
	s21 =	sshrl.u32 s18, $0x3;
	s22 =	sadd.s32 $0x640, s7  }
0x12: {  	s23 =	simm.s32 $0xC80;
	s24 =	simm.s32 $0x3;
	s25 =	simm.s32 $0x640  }
0x13: {  	s16 =	sadd.s32 s3, s26;
	s17 =	sadd.s32 s4, s26;
	s0 =	sadd.s32 $0x64, s26  }
0x14: {  	s20 =	sadd.s32 s21, s4;
	s21 =	sadd.s32 s21, s3;
	s26 =	simm.s32 $0x320  }
0x15: {  	v0 =	vimm.f32 $0.0e+00;
	s18 =	sadd.s32 s3, s0;
	s19 =	sadd.s32 s4, s0;
	s0 =	simm.s32 $0x0  }
.LBB2_1:
0x16: {  	s7 =	simm.s32 $0x40;
	s8 =	simm.s32 $0x0  }
.LBB2_2:
0x17: {  	p1 =	sne.s32 s7, $0xC7C0;
	[tilespmem:s8+$0xC80] =	vst v0;
	s8 =	smov.u32 s7;
	s7 =	sadd.s32 $0x40, s7  }
.Ltmp0:
0x18: {  	(pc) =	sbr.rel @p1 .LBB2_2-.Ltmp0, $2  }
0x19: {  	_ =	sdelay $0x2  }
0x1a: {  	s8 =	sshra.s32 s8, $0x2  }
0x1b: {  	[tilespmem:s8+$0xC80] =	vst v0  }
0x1c: {  	[spmem:s6] =	stream.linear.scatter [tilespmem:s23], [sflag:$0x3], $0x3200, $0x38;
	[tilespmem:$0x1F880] =	vst v63  }
0x1d: {  	_ =	swait.ge [sflag:s24], $0x3200  }
0x1e: {  	[sflag:s24] =	ssyncset.done $0x0  }
0x1f: {  	s7 =	rddreg [dreg:$0x3];
	[sflag:s24] =	ssyncadd.s32 $0xFFFFCE00  }
0x20: {  	[spmem:s7] =	stream.linear.scatter [tilespmem:s23], [sflag:$0x3], $0x3200, $0x38;
	[tilespmem:$0x1F880] =	vst v63  }
0x21: {  	_ =	swait.ge [sflag:s24], $0x3200  }
0x22: {  	[sflag:s24] =	ssyncset.done $0x0  }
0x23: {  	s10 =	rddreg [dreg:$0x4];
	[sflag:s24] =	ssyncadd.s32 $0xFFFFCE00  }
0x24: {  	[spmem:s10] =	stream.linear.scatter [tilespmem:s23], [sflag:$0x3], $0x3200, $0x38;
	[tilespmem:$0x1F880] =	vst v63  }
0x25: {  	_ =	swait.ge [sflag:s24], $0x3200  }
0x26: {  	[sflag:s24] =	ssyncset.done $0x0  }
0x27: {  	s11 =	rddreg [dreg:$0x5];
	[sflag:s24] =	ssyncadd.s32 $0xFFFFCE00  }
0x28: {  	[spmem:s11] =	stream.linear.scatter [tilespmem:s23], [sflag:$0x3], $0x3200, $0x38;
	[tilespmem:$0x1F880] =	vst v63  }
0x29: {  	_ =	swait.ge [sflag:s24], $0x3200  }
0x2a: {  	[sflag:s24] =	ssyncset.done $0x0  }
0x2b: {  	s8 =	rddreg [dreg:$0x6];
	[sflag:s24] =	ssyncadd.s32 $0xFFFFCE00  }
0x2c: {  	[spmem:s8] =	stream.linear.scatter [tilespmem:s23], [sflag:$0x3], $0x3200, $0x38;
	[tilespmem:$0x1F880] =	vst v63  }
0x2d: {  	_ =	swait.ge [sflag:s24], $0x3200  }
0x2e: {  	[sflag:s24] =	ssyncset.done $0x0  }
0x2f: {  	s9 =	rddreg [dreg:$0x7];
	[sflag:s24] =	ssyncadd.s32 $0xFFFFCE00  }
0x30: {  	[spmem:s9] =	stream.linear.scatter [tilespmem:s23], [sflag:$0x3], $0x3200, $0x38;
	[tilespmem:$0x1F880] =	vst v63  }
0x31: {  	_ =	swait.ge [sflag:s24], $0x3200  }
0x32: {  	[sflag:s24] =	ssyncset.done $0x0  }
0x33: {  	[sflag:s24] =	ssyncadd.s32 $0xFFFFCE00  }
0x34: {  	[spmem:s12] =	stream.linear.scatter [tilespmem:s23], [sflag:$0x3], $0x3200, $0x38;
	[tilespmem:$0x1F880] =	vst v63  }
0x35: {  	_ =	swait.ge [sflag:s24], $0x3200  }
0x36: {  	[sflag:s24] =	ssyncset.done $0x0  }
0x37: {  	[sflag:s24] =	ssyncadd.s32 $0xFFFFCE00  }
0x38: {  	[spmem:s13] =	stream.linear.scatter [tilespmem:s23], [sflag:$0x3], $0x2A00, $0x38;
	[tilespmem:$0x1F880] =	vst v63  }
0x39: {  	_ =	swait.ge [sflag:s24], $0x2A00  }
0x3a: {  	[sflag:s24] =	ssyncset.done $0x0  }
0x3b: {  	[sflag:s24] =	ssyncadd.s32 $0xFFFFD600  }
0x3c: {  	s10 =	simm.s32 $0x0;
	[bflag:$0x0] =	sbarrier.arrive $0xFFFF  }
0x3d: {  	[tilespmem:s10], [sflag:$0x3] =	stream.linear.gather [hbm4b:s16+s10], $0x320, $0x38;
	[tilespmem:$0x1F880] =	vst v63  }
0x3e: {  	_ =	swait.ge [sflag:s24], $0x320  }
0x3f: {  	[sflag:s24] =	ssyncset.done $0x0  }
0x40: {  	[sflag:s24] =	ssyncadd.s32 $0xFFFFFCE0  }
0x41: {  	[tilespmem:s25], [sflag:$0x3] =	stream.linear.gather [hbm4b:s17+s10], $0x320, $0x38;
	[tilespmem:$0x1F880] =	vst v63  }
0x42: {  	_ =	swait.ge [sflag:s24], $0x320  }
0x43: {  	[sflag:s24] =	ssyncset.done $0x0  }
0x44: {  	[sflag:s24] =	ssyncadd.s32 $0xFFFFFCE0  }
0x45: {  	[tilespmem:s23], [sflag:$0x3] =	stream.indirect.gather [hbm4b:s5+s26], $0x10, s10, s26, $0xb8;
	[tilespmem:$0x1F880] =	vst v63  }
0x46: {  	_ =	swait.ge [sflag:s24], $0x3200  }
0x47: {  	[sflag:s24] =	ssyncset.done $0x0  }
0x48: {  	[sflag:s24] =	ssyncadd.s32 $0xFFFFCE00  }
0x49: {  	[spmem:s1] =	stream.indirect.scatter.add.f32 [tilespmem:s23], [sflag:$0x1], $0x10, s25, s26, $0xb8;
	[tilespmem:$0x1F880] =	vst v63  }
0x4a: {  	_ = 	snop  }
0x4b: {  	[tilespmem:s26], [sflag:$0x3] =	stream.linear.gather [hbm4b:s18+s10], $0x320, $0x38;
	[tilespmem:$0x1F880] =	vst v63  }
0x4c: {  	_ =	swait.ge [sflag:s24], $0x320  }
0x4d: {  	[sflag:s24] =	ssyncset.done $0x0  }
0x4e: {  	[sflag:s24] =	ssyncadd.s32 $0xFFFFFCE0  }
0x4f: {  	[tilespmem:s28], [sflag:$0x3] =	stream.linear.gather [hbm4b:s19+s10], $0x320, $0x38;
	[tilespmem:$0x1F880] =	vst v63  }
0x50: {  	_ =	swait.ge [sflag:s24], $0x320  }
0x51: {  	[sflag:s24] =	ssyncset.done $0x0  }
0x52: {  	[sflag:s24] =	ssyncadd.s32 $0xFFFFFCE0  }
0x53: {  	[tilespmem:s29], [sflag:$0x3] =	stream.indirect.gather [hbm4b:s5+s26], $0x10, s26, s26, $0xb8;
	[tilespmem:$0x1F880] =	vst v63  }
0x54: {  	_ =	swait.ge [sflag:s24], $0x3200  }
0x55: {  	[sflag:s24] =	ssyncset.done $0x0  }
0x56: {  	[sflag:s24] =	ssyncadd.s32 $0xFFFFCE00  }
0x57: {  	[spmem:s1] =	stream.indirect.scatter.add.f32 [tilespmem:s29], [sflag:$0x2], $0x10, s28, s26, $0xb8;
	[tilespmem:$0x1F880] =	vst v63  }
0x58: {  	_ =	swait.ge [sflag:s30], $0x3200  }
0x59: {  	s11 =	sshrl.u32 s22, $0x3;
	[sflag:s30] =	ssyncset.done $0x0  }
0x5a: {  	s9 =	sadd.s32 s3, s11;
	[sflag:s30] =	ssyncadd.s32 $0xFFFFCE00  }
0x5b: {  	[tilespmem:s2], [sflag:$0x3] =	stream.linear.gather [hbm4b:s9+s2], $0x320, $0x38;
	[tilespmem:$0x1F880] =	vst v63  }
0x5c: {  	_ =	swait.ge [sflag:s24], $0x320  }
0x5d: {  	[sflag:s24] =	ssyncset.done $0x0  }
0x5e: {  	s7 =	sadd.s32 s4, s11;
	[sflag:s24] =	ssyncadd.s32 $0xFFFFFCE0  }
0x5f: {  	[tilespmem:s25], [sflag:$0x3] =	stream.linear.gather [hbm4b:s7+s2], $0x320, $0x38;
	[tilespmem:$0x1F880] =	vst v63  }
0x60: {  	_ =	swait.ge [sflag:s24], $0x320  }
0x61: {  	[sflag:s24] =	ssyncset.done $0x0  }
0x62: {  	[sflag:s24] =	ssyncadd.s32 $0xFFFFFCE0  }
0x63: {  	[tilespmem:s23], [sflag:$0x3] =	stream.indirect.gather [hbm4b:s5+s26], $0x10, s2, s26, $0xb8;
	[tilespmem:$0x1F880] =	vst v63  }
0x64: {  	_ =	swait.ge [sflag:s24], $0x3200  }
0x65: {  	[sflag:s24] =	ssyncset.done $0x0  }
0x66: {  	[sflag:s24] =	ssyncadd.s32 $0xFFFFCE00  }
0x67: {  	[spmem:s1] =	stream.indirect.scatter.add.f32 [tilespmem:s23], [sflag:$0x1], $0x10, s25, s26, $0xb8;
	[tilespmem:$0x1F880] =	vst v63  }
0x68: {  	_ =	swait.ge [sflag:s31], $0x3200  }
0x69: {  	[sflag:s31] =	ssyncset.done $0x0  }
0x6a: {  	s10 =	sadd.s32 $0x0, s21;
	[sflag:s31] =	ssyncadd.s32 $0xFFFFCE00  }
0x6b: {  	[tilespmem:s26], [sflag:$0x3] =	stream.linear.gather [hbm4b:s10+s2], $0x320, $0x38;
	[tilespmem:$0x1F880] =	vst v63  }
0x6c: {  	_ =	swait.ge [sflag:s24], $0x320  }
0x6d: {  	[sflag:s24] =	ssyncset.done $0x0  }
0x6e: {  	s11 =	sadd.s32 $0x0, s20;
	[sflag:s24] =	ssyncadd.s32 $0xFFFFFCE0  }
0x6f: {  	[tilespmem:s28], [sflag:$0x3] =	stream.linear.gather [hbm4b:s11+s2], $0x320, $0x38;
	[tilespmem:$0x1F880] =	vst v63  }
0x70: {  	_ =	swait.ge [sflag:s24], $0x320  }
0x71: {  	[sflag:s24] =	ssyncset.done $0x0  }
0x72: {  	[sflag:s24] =	ssyncadd.s32 $0xFFFFFCE0  }
0x73: {  	[tilespmem:s29], [sflag:$0x3] =	stream.indirect.gather [hbm4b:s5+s26], $0x10, s26, s26, $0xb8;
	[tilespmem:$0x1F880] =	vst v63  }
0x74: {  	_ =	swait.ge [sflag:s24], $0x3200  }
0x75: {  	[sflag:s24] =	ssyncset.done $0x0  }
0x76: {  	s8 =	sadd.s32 $0x640, s22;
	s7 =	simm.s32 $0xC8;
	[sflag:s24] =	ssyncadd.s32 $0xFFFFCE00  }
.LBB2_4:
0x77: {  	[spmem:s1] =	stream.indirect.scatter.add.f32 [tilespmem:s29], [sflag:$0x2], $0x10, s28, s26, $0xb8;
	[tilespmem:$0x1F880] =	vst v63  }
0x78: {  	s9 =	smov.u32 s7  }
0x79: {  	p1 =	sne.s32 s7, $0x2EE0;
	s7 =	sadd.s32 $0xC8, s7;
	_ =	swait.ge [sflag:s30], $0x3200  }
0x7a: {  	s10 =	sshrl.u32 s8, $0x3;
	[sflag:s30] =	ssyncset.done $0x0  }
0x7b: {  	s11 =	sadd.s32 s3, s10;
	[sflag:s30] =	ssyncadd.s32 $0xFFFFCE00  }
0x7c: {  	[tilespmem:s2], [sflag:$0x3] =	stream.linear.gather [hbm4b:s11+s2], $0x320, $0x38;
	[tilespmem:$0x1F880] =	vst v63  }
0x7d: {  	_ =	swait.ge [sflag:s24], $0x320  }
0x7e: {  	[sflag:s24] =	ssyncset.done $0x0  }
0x7f: {  	s10 =	sadd.s32 s4, s10;
	[sflag:s24] =	ssyncadd.s32 $0xFFFFFCE0  }
0x80: {  	[tilespmem:s25], [sflag:$0x3] =	stream.linear.gather [hbm4b:s10+s2], $0x320, $0x38;
	[tilespmem:$0x1F880] =	vst v63  }
0x81: {  	_ =	swait.ge [sflag:s24], $0x320  }
0x82: {  	[sflag:s24] =	ssyncset.done $0x0  }
0x83: {  	[sflag:s24] =	ssyncadd.s32 $0xFFFFFCE0  }
0x84: {  	[tilespmem:s23], [sflag:$0x3] =	stream.indirect.gather [hbm4b:s5+s26], $0x10, s2, s26, $0xb8;
	[tilespmem:$0x1F880] =	vst v63  }
0x85: {  	_ =	swait.ge [sflag:s24], $0x3200  }
0x86: {  	[sflag:s24] =	ssyncset.done $0x0  }
0x87: {  	[sflag:s24] =	ssyncadd.s32 $0xFFFFCE00  }
0x88: {  	[spmem:s1] =	stream.indirect.scatter.add.f32 [tilespmem:s23], [sflag:$0x1], $0x10, s25, s26, $0xb8;
	[tilespmem:$0x1F880] =	vst v63  }
0x89: {  	_ =	swait.ge [sflag:s31], $0x3200  }
0x8a: {  	[sflag:s31] =	ssyncset.done $0x0  }
0x8b: {  	s10 =	sadd.s32 s9, s21;
	[sflag:s31] =	ssyncadd.s32 $0xFFFFCE00  }
0x8c: {  	[tilespmem:s26], [sflag:$0x3] =	stream.linear.gather [hbm4b:s10+s2], $0x320, $0x38;
	[tilespmem:$0x1F880] =	vst v63  }
0x8d: {  	_ =	swait.ge [sflag:s24], $0x320  }
0x8e: {  	[sflag:s24] =	ssyncset.done $0x0  }
0x8f: {  	s9 =	sadd.s32 s9, s20;
	[sflag:s24] =	ssyncadd.s32 $0xFFFFFCE0  }
0x90: {  	[tilespmem:s28], [sflag:$0x3] =	stream.linear.gather [hbm4b:s9+s2], $0x320, $0x38;
	[tilespmem:$0x1F880] =	vst v63  }
0x91: {  	_ =	swait.ge [sflag:s24], $0x320  }
0x92: {  	[sflag:s24] =	ssyncset.done $0x0  }
.Ltmp1:
0x93: {  	[sflag:s24] =	ssyncadd.s32 $0xFFFFFCE0;
	(pc) =	sbr.rel @p1 .LBB2_4-.Ltmp1, $4  }
0x94: {  	[tilespmem:s29], [sflag:$0x3] =	stream.indirect.gather [hbm4b:s5+s26], $0x10, s26, s26, $0xb8;
	[tilespmem:$0x1F880] =	vst v63  }
0x95: {  	_ =	swait.ge [sflag:s24], $0x3200  }
0x96: {  	[sflag:s24] =	ssyncset.done $0x0  }
0x97: {  	s8 =	sadd.s32 $0x640, s8;
	[sflag:s24] =	ssyncadd.s32 $0xFFFFCE00  }
0x98: {  	[spmem:s1] =	stream.indirect.scatter.add.f32 [tilespmem:s29], [sflag:$0x2], $0x10, s28, s26, $0xb8;
	[tilespmem:$0x1F880] =	vst v63  }
0x99: {  	_ =	swait.ge [sflag:s30], $0x3200  }
0x9a: {  	[sflag:s30] =	ssyncset.done $0x0  }
0x9b: {  	[sflag:s30] =	ssyncadd.s32 $0xFFFFCE00  }
0x9c: {  	_ =	swait.ge [sflag:s31], $0x3200  }
0x9d: {  	[sflag:s31] =	ssyncset.done $0x0  }
0x9e: {  	s7 =	sshrl.u32 @!p0 s1, $0x3;
	s0 =	sadd.s32 $0x1, s0;
	[sflag:s31] =	ssyncadd.s32 $0xFFFFCE00  }
0x9f: {  	s8 =	simm.s32 @!p0 $0x1C03;
	p1 =	sne.s32 s0, s15;
	[bflag:$0x0] =	sbarrier.arrive $0xFFFF  }
0xa0: {  	[hbm:s14], [sflag:s8] =	dma.local @!p0 [spmem:s7], $0x31000  }
.Ltmp2:
0xa1: {  	_ = 	snop;
	(pc) =	sbr.rel @p1 .LBB2_1-.Ltmp2, $4  }
0xa2: {  	s7 =	simm.s32 @!p0 $0x3  }
0xa3: {  	_ =	swait.ge @!p0 [sflag:s7], $0x31000  }
0xa4: {  	[sflag:s7] =	ssyncset.done @!p0 $0x0  }
0xa5: {  	[sflag:s7] =	ssyncadd.s32 @!p0 $0xFFFCF000  }
0xa6: {  	_ =	sfence.sel $0x180000  }
0xa7: {  	[bflag:$0x0] =	sbarrier.arrive $0xFFFF  }
0xa8: {  	_ =	strace $0x9000004D  }
0xa9: {  	[bflag:$0x2] =	sbarrier.arrive $0xFFFF  }
0xaa: {  	s0 =	rddreg [dreg:$0x2]  }
0xab: {  	s0 =	sadd.s32 @!p0 $0x100000, s0  }
0xac: {  	[sflag:s0] =	ssyncadd.tile.s32 @!p0 $0x1;
	_ =	shalt  }
.Lfunc_end2:
_tile_overlayer_lowered:
.L_overlay_start_2:
0xad: {  	(tag) =	ssettag $0x2  }
0xae: {  	s0 =	rddreg [dreg:$0x0];
	s2 =	stileid.u32  }
0xaf: {  	s1 =	rddreg [dreg:$0x1];
	p0 =	sne.s32 s2, $0x0  }
0xb0: {  	s3 =	rddreg [dreg:$0x2];
	[bflag:$0x3] =	sbarrier.arrive $0xFFFF;
	s2 =	simm.s32 @!p0 $0x1C03  }
0xb1: {  	[timem:s3], [sflag:s2] =	dma.local @!p0 [hbm:s0], s1  }
0xb2: {  	s0 =	simm.s32 @!p0 $0x3  }
0xb3: {  	_ =	swait.ge @!p0 [sflag:s0], s1  }
0xb4: {  	s1 =	ssub.s32 @!p0 $0x0, s1;
	[sflag:s0] =	ssyncset.done @!p0 $0x0  }
0xb5: {  	[sflag:s0] =	ssyncadd.s32 @!p0 s1  }
0xb6: {  	[bflag:$0x3] =	sbarrier.arrive $0xFFFF  }
0xb7: {  	_ =	shalt  }

// kernel: kernel.8.cloned.1.call-start
scs
__scs_entry_jumppad:
0x0: {  	(pc) =	sbr.rel $0x88, $3  }
0x1: {  	(tag) =	ssettag $0x0;
	lr =	simm.s32 $0x1  }
0x2: {  	[smem:$0x3F9B] =	sst lr;
	_ =	strace $0xD0000000  }
0x3: {  	_ = 	snop  }
0x4: {  	_ = 	snop  }
0x5: {  	_ = 	snop  }
0x6: {  	_ = 	snop  }
0x7: {  	_ = 	snop  }
__scs_overlays_trampoline_lowered:
0x8: {  	[smem:$0x3FAA] =	sst s0  }
0x9: {  	[smem:$0x3FAB] =	sst s1  }
0xa: {  	[smem:$0x3FAC] =	sst s2  }
0xb: {  	[smem:$0x3FAD] =	sst s3  }
0xc: {  	[smem:$0x3FAE] =	sst s4  }
0xd: {  	[smem:$0x3FAF] =	sst s5  }
0xe: {  	[smem:$0x3FB0] =	sst s6  }
0xf: {  	[smem:$0x3FB1] =	sst s7  }
0x10: {  	[smem:$0x3FB2] =	sst s8  }
0x11: {  	[smem:$0x3FB3] =	sst s9;
	s0 =	simm.s32 @!p0 $0x0  }
0x12: {  	s1 =	sld [smem:$0x3F99];
	s0 =	simm.s32 @p0 $0x1  }
0x13: {  	[smem:$0x3FB4] =	sst s0;
	s0 =	simm.s32 @!p1 $0x0  }
0x14: {  	s2 =	sld [smem:$0x3F98];
	s0 =	simm.s32 @p1 $0x1  }
0x15: {  	[smem:$0x3FB5] =	sst s0;
	s0 =	simm.s32 @!p2 $0x0  }
0x16: {  	s3 =	sld [smem:$0x3FDB];
	s0 =	simm.s32 @p2 $0x1  }
0x17: {  	s4 =	simm.s32 $0x1BF5;
	[smem:$0x3FB7] =	sst s0  }
0x18: {  	s0 =	sld [smem:$0x3F9A];
	_ =	swait.ge [sflag:s4], $0x0  }
0x19: {  	s7 =	sld [smem:$0x3F9B]  }
0x1a: {  	s8 =	sadd.s32 $0xFFFFE003, lr  }
0x1b: {  	s9 =	sadd.s32 $0xFFFFFEF7, lr;
	s5 =	simm.s32 $0xFFFFFFFF;
	p2 =	slt.u32 s8, $0xFFFFF086  }
0x1c: {  	p1 =	slt.u32 s9, $0xF7A;
	s5 =	simm.s32 @!p2 $0x0  }
0x1d: {  	s5 =	simm.s32 @p1 $0x1;
	p0 =	seq.s32 s7, s2  }
0x1e: {  	s7 =	smul.u32 @!p0 $0xF7A, s2;
	p2 =	seq.s32 @!p0 s5, $0x0  }
0x1f: {  	s9 =	smul.u32 $0xF7A, s1;
	s8 =	simm.s32 @!p0 $0x1BF5;
	p2 =	por !p2, p0  }
0x20: {  	[sflag:s8] =	ssyncset.s32 @!p0 $0xFFFFF086;
	s6 =	sadd.s32 @!p0 s3, s7;
	s7 =	simm.s32 @!p0 $0x108  }
0x21: {  	s3 =	sadd.s32 s3, s9;
	s6 =	sadd.s32 @!p0 $0x88, s6;
	s7 =	simm.s32 @p2 $0x1082  }
0x22: {  	[simem:s7], [sflag:s8] =	dma.local @!p0 [hbm:s6], $0xF7A  }
0x23: {  	s9 =	sor.u32 $0xD0000000, s2;
	s6 =	simm.s32 $0x108;
	_ =	swait.ge @!p0 [sflag:s8], $0x0  }
0x24: {  	s3 =	sadd.s32 $0x88, s3;
	s6 =	simm.s32 @!p1 $0x1082;
	[sflag:s4] =	ssyncset.s32 $0xFFFFF086  }
0x25: {  	[simem:s6], [sflag:s4] =	dma.local [hbm:s3], $0xF7A  }
0x26: {  	[smem:$0x3F9B] =	sst s1;
	(tag) =	ssettag s2;
	_ =	strace s9  }
0x27: {  	s1 =	sld [smem:$0x3FAB]  }
0x28: {  	s2 =	sld [smem:$0x3FAC]  }
0x29: {  	s4 =	sld [smem:$0x3FAE]  }
0x2a: {  	p0 =	seq.s32 s5, $0x0;
	s5 =	sld [smem:$0x3FAF]  }
0x2b: {  	s6 =	sld [smem:$0x3FB0]  }
0x2c: {  	s7 =	sld [smem:$0x3FB1]  }
0x2d: {  	s3 =	simm.s32 $0x108;
	s8 =	sld [smem:$0x3FB2]  }
0x2e: {  	s3 =	simm.s32 @!p0 $0x1082;
	s9 =	sld [smem:$0x3FB3]  }
0x2f: {  	lr =	sadd.s32 s0, s3;
	s0 =	sld [smem:$0x3FAA]  }
0x30: {  	s3 =	sld [smem:$0x3FAD]  }
0x31: {  	[smem:$0x3FB6] =	sst s10  }
0x32: {  	s10 =	sld [smem:$0x3FB4];
	_ =	sdelay $0x3  }
0x33: {  	p0 =	seq.s32 s10, $0x1;
	s10 =	sld [smem:$0x3FB6];
	_ =	sdelay $0x3  }
0x34: {  	[smem:$0x3FB6] =	sst s10  }
0x35: {  	s10 =	sld [smem:$0x3FB5];
	_ =	sdelay $0x3  }
0x36: {  	p1 =	seq.s32 s10, $0x1;
	s10 =	sld [smem:$0x3FB6];
	_ =	sdelay $0x3  }
0x37: {  	[smem:$0x3FB6] =	sst s10  }
0x38: {  	s10 =	sld [smem:$0x3FB7]  }
0x39: {  	_ = 	snop;
	(pc) =	sbr.ind lr, $3  }
0x3a: {  	_ = 	snop  }
0x3b: {  	_ = 	snop  }
0x3c: {  	p2 =	seq.s32 s10, $0x1;
	s10 =	sld [smem:$0x3FB6]  }
0x3d: {  	_ =	shalt  }
0x3e: {  	_ =	shalt  }
0x3f: {  	_ =	shalt  }
0x40: {  	_ =	shalt  }
0x41: {  	_ =	shalt  }
0x42: {  	_ =	shalt  }
0x43: {  	_ =	shalt  }
0x44: {  	_ =	shalt  }
0x45: {  	_ =	shalt  }
0x46: {  	_ =	shalt  }
0x47: {  	_ =	shalt  }
0x48: {  	_ =	shalt  }
0x49: {  	_ =	shalt  }
0x4a: {  	_ =	shalt  }
0x4b: {  	_ =	shalt  }
0x4c: {  	_ =	shalt  }
0x4d: {  	_ =	shalt  }
0x4e: {  	_ =	shalt  }
0x4f: {  	_ =	shalt  }
0x50: {  	_ =	shalt  }
0x51: {  	_ =	shalt  }
0x52: {  	_ =	shalt  }
0x53: {  	_ =	shalt  }
0x54: {  	_ =	shalt  }
0x55: {  	_ =	shalt  }
0x56: {  	_ =	shalt  }
0x57: {  	_ =	shalt  }
0x58: {  	_ =	shalt  }
0x59: {  	_ =	shalt  }
0x5a: {  	_ =	shalt  }
0x5b: {  	_ =	shalt  }
0x5c: {  	_ =	shalt  }
0x5d: {  	_ =	shalt  }
0x5e: {  	_ =	shalt  }
0x5f: {  	_ =	shalt  }
0x60: {  	_ =	shalt  }
0x61: {  	_ =	shalt  }
0x62: {  	_ =	shalt  }
0x63: {  	_ =	shalt  }
0x64: {  	_ =	shalt  }
0x65: {  	_ =	shalt  }
0x66: {  	_ =	shalt  }
0x67: {  	_ =	shalt  }
0x68: {  	_ =	shalt  }
0x69: {  	_ =	shalt  }
0x6a: {  	_ =	shalt  }
0x6b: {  	_ =	shalt  }
0x6c: {  	_ =	shalt  }
0x6d: {  	_ =	shalt  }
0x6e: {  	_ =	shalt  }
0x6f: {  	_ =	shalt  }
0x70: {  	_ =	shalt  }
0x71: {  	_ =	shalt  }
0x72: {  	_ =	shalt  }
0x73: {  	_ =	shalt  }
0x74: {  	_ =	shalt  }
0x75: {  	_ =	shalt  }
0x76: {  	_ =	shalt  }
0x77: {  	_ =	shalt  }
0x78: {  	_ =	shalt  }
0x79: {  	_ =	shalt  }
0x7a: {  	_ =	shalt  }
0x7b: {  	_ =	shalt  }
0x7c: {  	_ =	shalt  }
0x7d: {  	_ =	shalt  }
0x7e: {  	_ =	shalt  }
0x7f: {  	_ =	shalt  }
0x80: {  	_ =	shalt  }
0x81: {  	_ =	shalt  }
0x82: {  	_ =	shalt  }
0x83: {  	_ =	shalt  }
0x84: {  	_ =	shalt  }
0x85: {  	_ =	shalt  }
0x86: {  	_ =	shalt  }
0x87: {  	_ =	shalt  }
.Lfunc_end0:
.L_simem_size_0:
called_computation_lowered:
.L_overlay_start_0:
0x88: {  	s2 =	sld [smem:$0x3FD9]  }
0x89: {  	s3 =	sld [smem:$0x3FFE];
	_ =	sdelay $0x1  }
0x8a: {  	s1 =	srdreg.scid  }
0x8b: {  	s0 =	sand.u32 $0x1, s1  }
0x8c: {  	s17 =	sshll.u32 s0, $0xA;
	s2 =	sadd.s32 s3, s2  }
0x8d: {  	s2 =	sadd.s32 s2, s17  }
0x8e: {  	[smem:$0x3FC2] =	sst s2  }
0x8f: {  	_ = 	snop  }
0x90: {  	s2 =	sld [smem:$0x3FD0];
	(tm) =	ssettm $0x1  }
0x91: {  	s18 =	sld [smem:$0x3FFB];
	_ =	sdelay $0x3  }
0x92: {  	_ =	strace s18  }
0x93: {  	s3 =	sld [smem:$0x3FFC];
	_ =	sdelay $0x3  }
0x94: {  	_ =	strace s3  }
0x95: {  	s3 =	sld [smem:$0x3FFD];
	_ =	sdelay $0x3  }
0x96: {  	_ =	strace s3  }
0x97: {  	_ =	strace $0x8FFFFFFF  }
0x98: {  	s19 =	sld [smem:$0x3FDB];
	_ =	sdelay $0x1  }
0x99: {  	s4 =	simm.s32 $_scs_section_size  }
0x9a: {  	s5 =	simm.s32 $_size__tile_overlayer_lowered;
	s6 =	simm.s32 $_tile_overlayer_lowered  }
0x9b: {  	s22 =	simm.s32 $0x1BFF;
	s21 =	sshll.u32 s6, $0x1;
	s3 =	sadd.s32 s4, s19  }
0x9c: {  	s7 =	simm.s32 $0x0;
	s20 =	sshll.u32 s5, $0x1;
	s5 =	sadd.s32 s21, s3  }
0x9d: {  	[timem:s7], [sflag:s22] =	dma.local [hbm:s5], s20  }
0x9e: {  	_ =	swait.ge [sflag:s22], s20  }
0x9f: {  	s4 =	ssub.s32 $0x0, s20;
	[sflag:s22] =	ssyncset.done $0x0  }
0xa0: {  	[sflag:s22] =	ssyncadd.s32 s4;
	_ =	sdelay $0x1  }
0xa1: {  	s23 =	simm.s32 $0x1B8B  }
0xa2: {  	_ =	swait.ge [sflag:s23], $0x1  }
0xa3: {  	[sflag:s23] =	ssyncset.done $0x0  }
0xa4: {  	s25 =	simm.s32 $0x1B8E;
	s24 =	sld [smem:$0x3FFE];
	[sflag:s23] =	ssyncadd.s32 $0xFFFFFFFF  }
0xa5: {  	s26 =	simm.s32 $execute0_lowered;
	[smem:$0x3FD2] =	sst s25  }
0xa6: {  	s5 =	sshll.u32 s26, $0x1;
	_ =	strace $0x80000046;
	[dreg:$0x1] =	wrdreg $0xFFFFFFFF  }
0xa7: {  	s28 =	simm.s32 $_size_execute0_lowered;
	s3 =	sadd.s32 s3, s5;
	[dreg:$0x0] =	wrdreg $0x0  }
0xa8: {  	s5 =	sshll.u32 s28, $0x1;
	[dreg:$0x2] =	wrdreg s3  }
0xa9: {  	[dreg:$0x3] =	wrdreg s5  }
0xaa: {  	[dreg:$0x4] =	wrdreg $0xC0  }
0xab: {  	_ =	task [dreg:s7], $0x5FFFF  }
0xac: {  	[dreg:$0x1] =	wrdreg $0xFFFFFFFF  }
0xad: {  	[dreg:$0x0] =	wrdreg $0x60  }
0xae: {  	[dreg:$0x2] =	wrdreg s24  }
0xaf: {  	[dreg:$0x3] =	wrdreg s2  }
0xb0: {  	[dreg:$0x4] =	wrdreg $0x124F80  }
0xb1: {  	[dreg:$0x5] =	wrdreg $0x9  }
0xb2: {  	_ =	task.clear_ibuf [dreg:s7], $0x6FFFF;
	_ =	strace $0x90000046  }
0xb3: {  	s29 =	simm.s32 $0x9;
	_ =	strace $0x80000048  }
0xb4: {  	_ =	swait.ge [sflag:s29], $0x1  }
0xb5: {  	[sflag:s29] =	ssyncadd.s32 $0xFFFFFFFF  }
0xb6: {  	_ =	strace $0x90000048  }
0xb7: {  	_ =	sfence  }
0xb8: {  	s30 =	sld [smem:$0x0];
	_ =	sdelay $0x2  }
0xb9: {  	s31 =	sshll.u32 s1, $0xD;
	s1 =	sshrl.u32 s1, $0x2  }
0xba: {  	s3 =	sand.u32 $0x4000, s31;
	s1 =	sadd.s32 s1, s30  }
0xbb: {  	s0 =	sor.u32 s3, s0;
	s1 =	sshll.u32 s1, $0x11  }
0xbc: {  	s0 =	sor.u32 s1, s0  }
0xbd: {  	s0 =	sadd.s32 $0x8F2B, s0  }
0xbe: {  	[sflag:s0] =	ssyncadd.remote.s32 $0x1  }
0xbf: {  	_ =	sfence.sel $0xFFFF  }
0xc0: {  	[dreg:$0x0] =	wrdreg $0xFFFFFFFF;
	(pc) =	sbr.abs _section_cstart, $3  }
0xc1: {  	[dreg:$0x1] =	wrdreg $0xFFFFFFFF  }
0xc2: {  	_ =	task.clear_ibuf [dreg:s7], $0x2FFFF;
	_ =	strace $0x9FFFFFFF  }
0xc3: {  	(tm) =	ssettm $0x7FFFFFFF  }
tec
execute0_lowered:
.L_overlay_start_1:
0x0: {  	(tag) =	ssettag $0x1  }
0x1: {  	s3 =	rddreg [dreg:$0x0]  }
0x2: {  	s4 =	rddreg [dreg:$0x1]  }
0x3: {  	s1 =	rddreg [dreg:$0x2];
	s2 =	srdreg.scid  }
0x4: {  	s0 =	rddreg [dreg:$0x3];
	s6 =	stileid.u32  }
0x5: {  	p1 =	por $0x0, $0x0;
	s5 =	sand.u32 $0x1, s2;
	s2 =	simm.s32 $0x0  }
0x6: {  	s9 =	sadd.s32 $0xE00, s3;
	s12 =	sadd.s32 $0xC4600, s3;
	s8 =	ssub.s32 $0x2, s5  }
0x7: {  	s15 =	sadd.s32 $0xC5400, s3;
	p0 =	sne.s32 s6, $0x0;
	s10 =	sshrl.u32 s8, $0x1  }
0x8: {  	s7 =	sshll.u32 s5, $0x4;
	[smem:$0x7FF] =	sst s2;
	s8 =	ssub.s32 s8, s10  }
0x9: {  	s5 =	smul.u32 $0x3100, s5;
	s7 =	sor.u32 s6, s7;
	s8 =	smax.u32 s8, $0x1  }
0xa: {  	_ =	strace $0x80000047;
	s6 =	simm.s32 $0x2;
	s18 =	sadd.s32 $0xFFFFFFFF, s8  }
0xb: {  	s7 =	smul.u32 $0x186A0, s7;
	s3 =	sadd.s32 s4, s5;
	p2 =	sne.s32 s18, $0x0  }
.Ltmp0:
0xc: {  	s4 =	sshrl.u32 @!p0 s1, $0x3;
	s5 =	simm.s32 $0xC350;
	(pc) =	sbr.rel @!p2 .LBB2_3-.Ltmp0, $4  }
0xd: {  	s10 =	simm.s32 $0x61A8;
	s28 =	sadd.s32 $0x61A8, s7;
	s29 =	sshrl.u32 s7, $0x3  }
0xe: {  	s7 =	sadd.s32 $0x124F8, s7;
	s8 =	simm.s32 $0x1;
	s30 =	sshrl.u32 s28, $0x3  }
0xf: {  	s14 =	sadd.s32 s9, s29;
	s31 =	sshrl.u32 s7, $0x3;
	s13 =	sadd.s32 s9, s30  }
0x10: {  	s11 =	sadd.s32 $0x186A, s14;
	s7 =	sadd.s32 s9, s31;
	s9 =	simm.s32 $0x3  }
0x11: {  	s17 =	simm.s32 @!p0 $0x1C03;
	s16 =	simm.s32 @!p0 $0x3  }
0x12: {  	[spmem:s4], [sflag:s17] =	dma.local @!p0 [hbm:s15], $0x3100  }
0x13: {  	_ =	swait.ge @!p0 [sflag:s16], $0x3100  }
0x14: {  	[sflag:s16] =	ssyncset.done @!p0 $0x0  }
0x15: {  	[sflag:s16] =	ssyncadd.s32 @!p0 $0xFFFFCF00  }
0x16: {  	[tilespmem:s5], [sflag:$0x3] =	stream.linear.gather [hbm4b:s12+s2], $0x61A8, $0x38;
	[tilespmem:$0x13D78] =	vst v63  }
0x17: {  	_ =	swait.ge [sflag:s9], $0x61A8  }
0x18: {  	[sflag:s9] =	ssyncset.done $0x0  }
0x19: {  	[sflag:s9] =	ssyncadd.s32 $0xFFFF9E58  }
0x1a: {  	[bflag:$0x0] =	sbarrier.arrive $0xFFFF  }
0x1b: {  	[tilespmem:s2], [sflag:$0x3] =	stream.linear.gather [hbm4b:s14+s2], $0x61A8, $0x38;
	[tilespmem:$0x13D78] =	vst v63  }
0x1c: {  	_ =	swait.ge [sflag:s9], $0x61A8  }
0x1d: {  	[sflag:s9] =	ssyncset.done $0x0  }
0x1e: {  	[sflag:s9] =	ssyncadd.s32 $0xFFFF9E58  }
0x1f: {  	[spmem:s1] =	stream.indirect.scatter.add.f32 [tilespmem:s5], [sflag:$0x1], $0x1, s2, s10, $0xb8;
	[tilespmem:$0x13D78] =	vst v63  }
0x20: {  	_ = 	snop  }
0x21: {  	[tilespmem:s10], [sflag:$0x3] =	stream.linear.gather [hbm4b:s13+s2], $0x61A8, $0x38;
	[tilespmem:$0x13D78] =	vst v63  }
0x22: {  	_ =	swait.ge [sflag:s9], $0x61A8  }
0x23: {  	[sflag:s9] =	ssyncset.done $0x0  }
0x24: {  	[sflag:s9] =	ssyncadd.s32 $0xFFFF9E58  }
0x25: {  	[spmem:s1] =	stream.indirect.scatter.add.f32 [tilespmem:s5], [sflag:$0x2], $0x1, s10, s10, $0xb8;
	[tilespmem:$0x13D78] =	vst v63  }
0x26: {  	_ =	swait.ge [sflag:s8], $0x61A8  }
0x27: {  	[sflag:s8] =	ssyncset.done $0x0  }
0x28: {  	[sflag:s8] =	ssyncadd.s32 $0xFFFF9E58  }
0x29: {  	[tilespmem:s2], [sflag:$0x3] =	stream.linear.gather [hbm4b:s11+s2], $0x61A8, $0x38;
	[tilespmem:$0x13D78] =	vst v63  }
0x2a: {  	_ =	swait.ge [sflag:s9], $0x61A8  }
0x2b: {  	[sflag:s9] =	ssyncset.done $0x0  }
0x2c: {  	[sflag:s9] =	ssyncadd.s32 $0xFFFF9E58  }
0x2d: {  	[spmem:s1] =	stream.indirect.scatter.add.f32 [tilespmem:s5], [sflag:$0x1], $0x1, s2, s10, $0xb8;
	[tilespmem:$0x13D78] =	vst v63  }
0x2e: {  	_ =	swait.ge [sflag:s6], $0x61A8  }
0x2f: {  	[sflag:s6] =	ssyncset.done $0x0  }
0x30: {  	[sflag:s6] =	ssyncadd.s32 $0xFFFF9E58  }
0x31: {  	[tilespmem:s10], [sflag:$0x3] =	stream.linear.gather [hbm4b:s7+s2], $0x61A8, $0x38;
	[tilespmem:$0x13D78] =	vst v63  }
0x32: {  	_ =	swait.ge [sflag:s9], $0x61A8  }
0x33: {  	[sflag:s9] =	ssyncset.done $0x0  }
0x34: {  	[sflag:s9] =	ssyncadd.s32 $0xFFFF9E58  }
0x35: {  	[spmem:s1] =	stream.indirect.scatter.add.f32 [tilespmem:s5], [sflag:$0x2], $0x1, s10, s10, $0xb8;
	[tilespmem:$0x13D78] =	vst v63  }
0x36: {  	_ =	swait.ge [sflag:s8], $0x61A8  }
0x37: {  	[sflag:s8] =	ssyncset.done $0x0  }
0x38: {  	[sflag:s8] =	ssyncadd.s32 $0xFFFF9E58  }
0x39: {  	s18 =	sadd.s32 $0xFFFFFFFF, s18;
	_ =	swait.ge [sflag:s6], $0x61A8  }
0x3a: {  	p2 =	sne.s32 s18, $0x0;
	[sflag:s6] =	ssyncset.done $0x0  }
.Ltmp1:
0x3b: {  	[sflag:s6] =	ssyncadd.s32 $0xFFFF9E58;
	(pc) =	sbr.rel @!p2 .LBB2_3-.Ltmp1, $4  }
0x3c: {  	[bflag:$0x0] =	sbarrier.arrive $0xFFFF  }
0x3d: {  	[hbm:s3], [sflag:s17] =	dma.local @!p0 [spmem:s4], $0x3100  }
0x3e: {  	_ =	swait.ge @!p0 [sflag:s16], $0x3100  }
0x3f: {  	p1 =	por $0x1, $0x1;
	[sflag:s16] =	ssyncset.done @!p0 $0x0  }
.LBB2_2:
0x40: {  	[sflag:s16] =	ssyncadd.s32 @!p0 $0xFFFFCF00  }
0x41: {  	[spmem:s4], [sflag:s17] =	dma.local @!p0 [hbm:s15], $0x3100  }
0x42: {  	s18 =	sadd.s32 $0xFFFFFFFF, s18;
	_ =	swait.ge @!p0 [sflag:s16], $0x3100  }
0x43: {  	p2 =	sne.s32 s18, $0x0;
	[sflag:s16] =	ssyncset.done @!p0 $0x0  }
0x44: {  	[sflag:s16] =	ssyncadd.s32 @!p0 $0xFFFFCF00  }
0x45: {  	[tilespmem:s5], [sflag:$0x3] =	stream.linear.gather [hbm4b:s12+s2], $0x61A8, $0x38;
	[tilespmem:$0x13D78] =	vst v63  }
0x46: {  	_ =	swait.ge [sflag:s9], $0x61A8  }
0x47: {  	[sflag:s9] =	ssyncset.done $0x0  }
0x48: {  	[sflag:s9] =	ssyncadd.s32 $0xFFFF9E58  }
0x49: {  	[bflag:$0x0] =	sbarrier.arrive $0xFFFF  }
0x4a: {  	[tilespmem:s2], [sflag:$0x3] =	stream.linear.gather [hbm4b:s14+s2], $0x61A8, $0x38;
	[tilespmem:$0x13D78] =	vst v63  }
0x4b: {  	_ =	swait.ge [sflag:s9], $0x61A8  }
0x4c: {  	[sflag:s9] =	ssyncset.done $0x0  }
0x4d: {  	[sflag:s9] =	ssyncadd.s32 $0xFFFF9E58  }
0x4e: {  	[spmem:s1] =	stream.indirect.scatter.add.f32 [tilespmem:s5], [sflag:$0x1], $0x1, s2, s10, $0xb8;
	[tilespmem:$0x13D78] =	vst v63  }
0x4f: {  	_ = 	snop  }
0x50: {  	[tilespmem:s10], [sflag:$0x3] =	stream.linear.gather [hbm4b:s13+s2], $0x61A8, $0x38;
	[tilespmem:$0x13D78] =	vst v63  }
0x51: {  	_ =	swait.ge [sflag:s9], $0x61A8  }
0x52: {  	[sflag:s9] =	ssyncset.done $0x0  }
0x53: {  	[sflag:s9] =	ssyncadd.s32 $0xFFFF9E58  }
0x54: {  	[spmem:s1] =	stream.indirect.scatter.add.f32 [tilespmem:s5], [sflag:$0x2], $0x1, s10, s10, $0xb8;
	[tilespmem:$0x13D78] =	vst v63  }
0x55: {  	_ =	swait.ge [sflag:s8], $0x61A8  }
0x56: {  	[sflag:s8] =	ssyncset.done $0x0  }
0x57: {  	[sflag:s8] =	ssyncadd.s32 $0xFFFF9E58  }
0x58: {  	[tilespmem:s2], [sflag:$0x3] =	stream.linear.gather [hbm4b:s11+s2], $0x61A8, $0x38;
	[tilespmem:$0x13D78] =	vst v63  }
0x59: {  	_ =	swait.ge [sflag:s9], $0x61A8  }
0x5a: {  	[sflag:s9] =	ssyncset.done $0x0  }
0x5b: {  	[sflag:s9] =	ssyncadd.s32 $0xFFFF9E58  }
0x5c: {  	[spmem:s1] =	stream.indirect.scatter.add.f32 [tilespmem:s5], [sflag:$0x1], $0x1, s2, s10, $0xb8;
	[tilespmem:$0x13D78] =	vst v63  }
0x5d: {  	_ =	swait.ge [sflag:s6], $0x61A8  }
0x5e: {  	[sflag:s6] =	ssyncset.done $0x0  }
0x5f: {  	[sflag:s6] =	ssyncadd.s32 $0xFFFF9E58  }
0x60: {  	[tilespmem:s10], [sflag:$0x3] =	stream.linear.gather [hbm4b:s7+s2], $0x61A8, $0x38;
	[tilespmem:$0x13D78] =	vst v63  }
0x61: {  	_ =	swait.ge [sflag:s9], $0x61A8  }
0x62: {  	[sflag:s9] =	ssyncset.done $0x0  }
0x63: {  	[sflag:s9] =	ssyncadd.s32 $0xFFFF9E58  }
0x64: {  	[spmem:s1] =	stream.indirect.scatter.add.f32 [tilespmem:s5], [sflag:$0x2], $0x1, s10, s10, $0xb8;
	[tilespmem:$0x13D78] =	vst v63  }
0x65: {  	_ =	swait.ge [sflag:s8], $0x61A8  }
0x66: {  	[sflag:s8] =	ssyncset.done $0x0  }
0x67: {  	[sflag:s8] =	ssyncadd.s32 $0xFFFF9E58  }
0x68: {  	_ =	swait.ge [sflag:s6], $0x61A8  }
0x69: {  	[sflag:s6] =	ssyncset.done $0x0  }
.Ltmp2:
0x6a: {  	[sflag:s6] =	ssyncadd.s32 $0xFFFF9E58;
	(pc) =	sbr.rel @p2 .LBB2_2-.Ltmp2, $4  }
0x6b: {  	[bflag:$0x0] =	sbarrier.arrive $0xFFFF  }
0x6c: {  	[hbm:s3], [sflag:s17] =	dma.local @!p0 [spmem:s4], $0x3100  }
0x6d: {  	_ =	swait.ge @!p0 [sflag:s16], $0x3100  }
0x6e: {  	[sflag:s16] =	ssyncset.done @!p0 $0x0  }
.LBB2_3:
0x6f: {  	p1 =	por p0, !p1  }
0x70: {  	s17 =	simm.s32 @!p0 $0x1C03;
	s18 =	simm.s32 @!p0 $0x3;
	[sflag:s16] =	ssyncadd.s32 @!p1 $0xFFFFCF00  }
0x71: {  	[spmem:s4], [sflag:s17] =	dma.local @!p0 [hbm:s15], $0x3100  }
0x72: {  	_ =	swait.ge @!p0 [sflag:s18], $0x3100  }
0x73: {  	[sflag:s18] =	ssyncset.done @!p0 $0x0  }
0x74: {  	[sflag:s18] =	ssyncadd.s32 @!p0 $0xFFFFCF00  }
0x75: {  	[tilespmem:s5], [sflag:$0x3] =	stream.linear.gather [hbm4b:s12+s2], $0x61A8, $0x38;
	[tilespmem:$0x13D78] =	vst v63  }
0x76: {  	_ =	swait.ge [sflag:s9], $0x61A8  }
0x77: {  	[sflag:s9] =	ssyncset.done $0x0  }
0x78: {  	[sflag:s9] =	ssyncadd.s32 $0xFFFF9E58  }
0x79: {  	[bflag:$0x0] =	sbarrier.arrive $0xFFFF  }
0x7a: {  	[tilespmem:s2], [sflag:$0x3] =	stream.linear.gather [hbm4b:s14+s2], $0x61A8, $0x38;
	[tilespmem:$0x13D78] =	vst v63  }
0x7b: {  	_ =	swait.ge [sflag:s9], $0x61A8  }
0x7c: {  	[sflag:s9] =	ssyncset.done $0x0  }
0x7d: {  	[sflag:s9] =	ssyncadd.s32 $0xFFFF9E58  }
0x7e: {  	[spmem:s1] =	stream.indirect.scatter.add.f32 [tilespmem:s5], [sflag:$0x1], $0x1, s2, s10, $0xb8;
	[tilespmem:$0x13D78] =	vst v63  }
0x7f: {  	_ = 	snop  }
0x80: {  	[tilespmem:s10], [sflag:$0x3] =	stream.linear.gather [hbm4b:s13+s2], $0x61A8, $0x38;
	[tilespmem:$0x13D78] =	vst v63  }
0x81: {  	_ =	swait.ge [sflag:s9], $0x61A8  }
0x82: {  	[sflag:s9] =	ssyncset.done $0x0  }
0x83: {  	[sflag:s9] =	ssyncadd.s32 $0xFFFF9E58  }
0x84: {  	[spmem:s1] =	stream.indirect.scatter.add.f32 [tilespmem:s5], [sflag:$0x2], $0x1, s10, s10, $0xb8;
	[tilespmem:$0x13D78] =	vst v63  }
0x85: {  	_ =	swait.ge [sflag:s8], $0x61A8  }
0x86: {  	[sflag:s8] =	ssyncset.done $0x0  }
0x87: {  	[sflag:s8] =	ssyncadd.s32 $0xFFFF9E58  }
0x88: {  	[tilespmem:s2], [sflag:$0x3] =	stream.linear.gather [hbm4b:s11+s2], $0x61A8, $0x38;
	[tilespmem:$0x13D78] =	vst v63  }
0x89: {  	_ =	swait.ge [sflag:s9], $0x61A8  }
0x8a: {  	[sflag:s9] =	ssyncset.done $0x0  }
0x8b: {  	[sflag:s9] =	ssyncadd.s32 $0xFFFF9E58  }
0x8c: {  	[spmem:s1] =	stream.indirect.scatter.add.f32 [tilespmem:s5], [sflag:$0x1], $0x1, s2, s10, $0xb8;
	[tilespmem:$0x13D78] =	vst v63  }
0x8d: {  	_ =	swait.ge [sflag:s6], $0x61A8  }
0x8e: {  	[sflag:s6] =	ssyncset.done $0x0  }
0x8f: {  	[sflag:s6] =	ssyncadd.s32 $0xFFFF9E58  }
0x90: {  	[tilespmem:s10], [sflag:$0x3] =	stream.linear.gather [hbm4b:s7+s2], $0x61A8, $0x38;
	[tilespmem:$0x13D78] =	vst v63  }
0x91: {  	_ =	swait.ge [sflag:s9], $0x61A8  }
0x92: {  	[sflag:s9] =	ssyncset.done $0x0  }
0x93: {  	[sflag:s9] =	ssyncadd.s32 $0xFFFF9E58  }
0x94: {  	[spmem:s1] =	stream.indirect.scatter.add.f32 [tilespmem:s5], [sflag:$0x2], $0x1, s10, s10, $0xb8;
	[tilespmem:$0x13D78] =	vst v63  }
0x95: {  	_ =	swait.ge [sflag:s8], $0x61A8  }
0x96: {  	[sflag:s8] =	ssyncset.done $0x0  }
0x97: {  	[sflag:s8] =	ssyncadd.s32 $0xFFFF9E58  }
0x98: {  	_ =	swait.ge [sflag:s6], $0x61A8  }
0x99: {  	[sflag:s6] =	ssyncset.done $0x0  }
0x9a: {  	[sflag:s6] =	ssyncadd.s32 $0xFFFF9E58  }
0x9b: {  	[bflag:$0x0] =	sbarrier.arrive $0xFFFF  }
0x9c: {  	[hbm:s3], [sflag:s17] =	dma.local @!p0 [spmem:s4], $0x3100  }
0x9d: {  	_ =	swait.ge @!p0 [sflag:s18], $0x3100  }
0x9e: {  	[sflag:s18] =	ssyncset.done @!p0 $0x0  }
0x9f: {  	[sflag:s18] =	ssyncadd.s32 @!p0 $0xFFFFCF00  }
0xa0: {  	_ =	sfence.sel $0x180000  }
0xa1: {  	[bflag:$0x0] =	sbarrier.arrive $0xFFFF  }
0xa2: {  	_ =	strace $0x90000047  }
0xa3: {  	s0 =	sadd.s32 @!p0 $0x100000, s0;
	[bflag:$0x2] =	sbarrier.arrive $0xFFFF  }
0xa4: {  	[sflag:s0] =	ssyncadd.tile.s32 @!p0 $0x1;
	_ =	shalt  }
.Lfunc_end2:
_tile_overlayer_lowered:
.L_overlay_start_2:
0xa5: {  	(tag) =	ssettag $0x2  }
0xa6: {  	s0 =	rddreg [dreg:$0x0];
	s2 =	stileid.u32  }
0xa7: {  	s1 =	rddreg [dreg:$0x1];
	p0 =	sne.s32 s2, $0x0  }
0xa8: {  	s3 =	rddreg [dreg:$0x2];
	[bflag:$0x3] =	sbarrier.arrive $0xFFFF;
	s2 =	simm.s32 @!p0 $0x1C03  }
0xa9: {  	[timem:s3], [sflag:s2] =	dma.local @!p0 [hbm:s0], s1  }
0xaa: {  	s0 =	simm.s32 @!p0 $0x3  }
0xab: {  	_ =	swait.ge @!p0 [sflag:s0], s1  }
0xac: {  	s1 =	ssub.s32 @!p0 $0x0, s1;
	[sflag:s0] =	ssyncset.done @!p0 $0x0  }
0xad: {  	[sflag:s0] =	ssyncadd.s32 @!p0 s1  }
0xae: {  	[bflag:$0x3] =	sbarrier.arrive $0xFFFF  }
0xaf: {  	_ =	shalt  }

</sc_bundles>
